<compile_context>
chip_gen: v7x
topology: tpu7x:2x2x1
jax: 0.10.2.dev20260603
libtpu: 0.0.44.dev20260713+nightly
codegen_flags: <defaults>
</compile_context>

<pallas_src>
import functools

import jax
import jax.numpy as jnp
from jax import lax
from jax.experimental import pallas as pl
from jax.experimental.pallas import tpu as pltpu
from jax.experimental.pallas import tpu_sc as plsc

B, N, C, OC = 8, 4096, 128, 256
M = N // 4
K = 32
NTOK = B * M * K
NW = 32


def _sc_mesh():
    return plsc.VectorSubcoreMesh(core_axis_name="c", subcore_axis_name="s",
                                  num_cores=2, num_subcores=16)


_SRPW = (B * M) // NW


def _sc_sample_body(x_hbm, coor_hbm, sidx_hbm, sx_hbm, scoor_hbm,
                    idx_v, rx_v, rc_v, s0, s1, s2, s3):
    wid = lax.axis_index("s") * 2 + lax.axis_index("c")
    base = wid * _SRPW
    pltpu.sync_copy(sidx_hbm.at[pl.ds(base, _SRPW)], idx_v)
    cx0 = pltpu.async_copy(x_hbm.at[idx_v.at[pl.ds(0, 128)]],
                           rx_v.at[pl.ds(0, 128)], s0)
    cx1 = pltpu.async_copy(x_hbm.at[idx_v.at[pl.ds(128, 128)]],
                           rx_v.at[pl.ds(128, 128)], s1)
    cc0 = pltpu.async_copy(coor_hbm.at[idx_v.at[pl.ds(0, 128)]],
                           rc_v.at[pl.ds(0, 128)], s2)
    cc1 = pltpu.async_copy(coor_hbm.at[idx_v.at[pl.ds(128, 128)]],
                           rc_v.at[pl.ds(128, 128)], s3)
    cx0.wait(); cx1.wait(); cc0.wait(); cc1.wait()
    pltpu.sync_copy(rx_v, sx_hbm.at[pl.ds(base, _SRPW)])
    pltpu.sync_copy(rc_v, scoor_hbm.at[pl.ds(base, _SRPW)])


def _sc_sample():
    return pl.kernel(
        _sc_sample_body, mesh=_sc_mesh(),
        out_type=(jax.ShapeDtypeStruct((B * M, C), jnp.float32),
                  jax.ShapeDtypeStruct((B * M, 128), jnp.float32)),
        scratch_types=[pltpu.VMEM((_SRPW,), jnp.int32),
                       pltpu.VMEM((_SRPW, C), jnp.float32),
                       pltpu.VMEM((_SRPW, 128), jnp.float32),
                       pltpu.SemaphoreType.DMA, pltpu.SemaphoreType.DMA,
                       pltpu.SemaphoreType.DMA, pltpu.SemaphoreType.DMA])


_RPW = NTOK // NW
_CH = 128
_NB = 2


def _sc_gather_body(y_hbm, gidx_hbm, out_hbm, idx_v, rows_v,
                    g0, g1, o0, o1):
    wid = lax.axis_index("s") * 2 + lax.axis_index("c")
    base = wid * _RPW
    pltpu.sync_copy(gidx_hbm.at[pl.ds(base, _RPW)], idx_v)
    gsems = (g0, g1)
    osems = (o0, o1)

    def step(g, carry):
        j0 = g * _NB
        cps = [pltpu.async_copy(
                   y_hbm.at[idx_v.at[pl.ds((j0 + i) * _CH, _CH)]],
                   rows_v.at[i], gsems[i])
               for i in range(_NB)]
        ocs = []
        for i in range(_NB):
            cps[i].wait()
            ocs.append(pltpu.async_copy(
                rows_v.at[i], out_hbm.at[pl.ds(base + (j0 + i) * _CH, _CH)],
                osems[i]))
        for oc in ocs:
            oc.wait()
        return carry

    lax.fori_loop(0, _RPW // (_CH * _NB), step, 0)


def _sc_gather():
    return pl.kernel(
        _sc_gather_body, mesh=_sc_mesh(),
        out_type=jax.ShapeDtypeStruct((NTOK, 128), jnp.int32),
        scratch_types=[pltpu.VMEM((_RPW,), jnp.int32),
                       pltpu.VMEM((_NB, _CH, 128), jnp.int32),
                       pltpu.SemaphoreType.DMA, pltpu.SemaphoreType.DMA,
                       pltpu.SemaphoreType.DMA, pltpu.SemaphoreType.DMA])


def _mm_body(x_ref, w_ref, o_ref):
    o_ref[...] = jnp.dot(x_ref[...], w_ref[...],
                         preferred_element_type=jnp.float32
                         ).astype(o_ref.dtype)


def _pack_body(x_ref, w_ref, o_ref):
    r = jnp.dot(x_ref[...], w_ref[...], preferred_element_type=jnp.float32)
    bf = r.astype(jnp.bfloat16)
    lo = lax.bitcast_convert_type(bf[:, :128], jnp.uint16).astype(jnp.uint32)
    hi = lax.bitcast_convert_type(bf[:, 128:], jnp.uint16).astype(jnp.uint32)
    o_ref[...] = lax.bitcast_convert_type(lo | (hi << 16), jnp.int32)


def _unpack_f32(p):
    u = lax.bitcast_convert_type(p, jnp.uint32)
    lo = lax.bitcast_convert_type((u & 0xFFFF).astype(jnp.uint16),
                                  jnp.bfloat16)
    hi = lax.bitcast_convert_type((u >> 16).astype(jnp.uint16), jnp.bfloat16)
    return jnp.concatenate([lo, hi], axis=-1).astype(jnp.float32)


def _mm_bias_body(x_ref, w_ref, b_ref, o_ref):
    o_ref[...] = jnp.dot(x_ref[...], w_ref[...],
                         preferred_element_type=jnp.float32) + b_ref[0]


def _matmul(xf, wT, bias=None, bm=2048, out_dtype=jnp.float32):
    n = xf.shape[0]
    cin, cout = wT.shape
    grid = (n // bm,)
    in_specs = [pl.BlockSpec((bm, cin), lambda t: (t, 0)),
                pl.BlockSpec((cin, cout), lambda t: (0, 0))]
    args = [xf, wT]
    body = _mm_body
    if bias is not None:
        in_specs.append(pl.BlockSpec((1, cout), lambda t: (0, 0)))
        args.append(bias.reshape(1, cout))
        body = _mm_bias_body
    return pl.pallas_call(
        body, grid=grid, in_specs=in_specs,
        out_specs=pl.BlockSpec((bm, cout), lambda t: (t, 0)),
        out_shape=jax.ShapeDtypeStruct((n, cout), out_dtype))(*args)


_TM = 1024


def _topk_body(scoorT_ref, coorT_ref, knn_ref, d_ref):
    b = pl.program_id(0)
    s = scoorT_ref[0]
    c = coorT_ref[0]
    ssq = s[0] * s[0] + s[1] * s[1] + s[2] * s[2]
    csq = c[0] * c[0] + c[1] * c[1] + c[2] * c[2]
    dot = lax.dot_general(s, c, (((0,), (0,)), ((), ())),
                          preferred_element_type=jnp.float32)
    d_ref[...] = (ssq[:, None] + csq[None, :]) - 2.0 * dot
    iota = lax.broadcasted_iota(jnp.int32, (_TM, N), 1)
    kio = lax.broadcasted_iota(jnp.int32, (_TM, K), 1)

    def step(k, acc):
        dd = d_ref[...]
        minv = jnp.min(dd, axis=1, keepdims=True)
        idx = jnp.min(jnp.where(dd == minv, iota, N), axis=1, keepdims=True)
        d_ref[...] = jnp.where(iota == idx, jnp.float32(jnp.inf), dd)
        return jnp.where(kio == k, idx, acc)

    acc = lax.fori_loop(0, K, step, jnp.zeros((_TM, K), jnp.int32))
    knn_ref[0] = acc + b * N


def _topk(scoorT, coorT):
    return pl.pallas_call(
        _topk_body, grid=(B, M // _TM),
        in_specs=[pl.BlockSpec((1, 3, _TM), lambda b, t: (b, 0, t)),
                  pl.BlockSpec((1, 3, N), lambda b, t: (b, 0, 0))],
        out_specs=pl.BlockSpec((1, _TM, K), lambda b, t: (b, t, 0)),
        out_shape=jax.ShapeDtypeStruct((B, M, K), jnp.int32),
        scratch_shapes=[pltpu.VMEM((_TM, N), jnp.float32)])(scoorT, coorT)


_TT = 256


def _s1_body(h_ref, z_ref, o_ref):
    hv = (_unpack_f32(h_ref[...]).reshape(_TT, K, OC)
          + z_ref[...][:, None, :])
    s = jnp.sum(hv.reshape(_TT * K, OC), axis=0)
    q = jnp.sum((hv * hv).reshape(_TT * K, OC), axis=0)
    part = jnp.concatenate([s[None], q[None], jnp.zeros((6, OC), jnp.float32)], axis=0)

    @pl.when(pl.program_id(0) == 0)
    def _():
        o_ref[...] = jnp.zeros_like(o_ref)

    o_ref[...] += part


def _stats1(h1g, z):
    return pl.pallas_call(
        _s1_body, grid=(B * M // _TT,),
        in_specs=[pl.BlockSpec((_TT * K, 128), lambda t: (t, 0)),
                  pl.BlockSpec((_TT, OC), lambda t: (t, 0))],
        out_specs=pl.BlockSpec((8, OC), lambda t: (0, 0)),
        out_shape=jax.ShapeDtypeStruct((8, OC), jnp.float32))(h1g, z)


def _mlp_body(h_ref, z_ref, st1_ref, w2_ref, b2_ref, g1_ref, be1_ref,
              mx_ref, mn_ref, st2_ref):
    mean1 = st1_ref[0] / NTOK
    var1 = st1_ref[1] / NTOK - mean1 * mean1
    rs1 = g1_ref[0] * lax.rsqrt(var1 + 1e-5)
    sh1 = be1_ref[0] - mean1 * rs1
    hv = (_unpack_f32(h_ref[...]).reshape(_TT, K, OC)
          + z_ref[...][:, None, :])
    h1n = jnp.maximum(hv * rs1 + sh1, 0.0).reshape(_TT * K, OC)
    hm = jnp.dot(h1n, w2_ref[...], preferred_element_type=jnp.float32) + b2_ref[0]
    s = jnp.sum(hm, axis=0)
    q = jnp.sum(hm * hm, axis=0)
    part = jnp.concatenate([s[None], q[None], jnp.zeros((6, OC), jnp.float32)], axis=0)
    hk = hm.reshape(_TT, K, OC)
    mx_ref[...] = jnp.max(hk, axis=1)
    mn_ref[...] = jnp.min(hk, axis=1)

    @pl.when(pl.program_id(0) == 0)
    def _():
        st2_ref[...] = jnp.zeros_like(st2_ref)

    st2_ref[...] += part


def _mlp(h1g, z, st1, w2T, b2, g1, be1):
    return pl.pallas_call(
        _mlp_body, grid=(B * M // _TT,),
        in_specs=[pl.BlockSpec((_TT * K, 128), lambda t: (t, 0)),
                  pl.BlockSpec((_TT, OC), lambda t: (t, 0)),
                  pl.BlockSpec((8, OC), lambda t: (0, 0)),
                  pl.BlockSpec((OC, OC), lambda t: (0, 0)),
                  pl.BlockSpec((1, OC), lambda t: (0, 0)),
                  pl.BlockSpec((1, OC), lambda t: (0, 0)),
                  pl.BlockSpec((1, OC), lambda t: (0, 0))],
        out_specs=[pl.BlockSpec((_TT, OC), lambda t: (t, 0)),
                   pl.BlockSpec((_TT, OC), lambda t: (t, 0)),
                   pl.BlockSpec((8, OC), lambda t: (0, 0))],
        out_shape=[jax.ShapeDtypeStruct((B * M, OC), jnp.float32),
                   jax.ShapeDtypeStruct((B * M, OC), jnp.float32),
                   jax.ShapeDtypeStruct((8, OC), jnp.float32)],
    )(h1g, z, st1, w2T, b2.reshape(1, OC), g1.reshape(1, OC), be1.reshape(1, OC))


def _fin_body(mx_ref, mn_ref, st2_ref, g2_ref, be2_ref, o_ref):
    mean2 = st2_ref[0] / NTOK
    var2 = st2_ref[1] / NTOK - mean2 * mean2
    rs2 = g2_ref[0] * lax.rsqrt(var2 + 1e-5)
    sh2 = be2_ref[0] - mean2 * rs2
    sel = jnp.where(rs2 >= 0.0, mx_ref[...], mn_ref[...])
    o_ref[...] = jnp.maximum(sel * rs2 + sh2, 0.0)


def _final(mx, mn, st2, g2, be2):
    return pl.pallas_call(
        _fin_body, grid=(B,),
        in_specs=[pl.BlockSpec((M, OC), lambda b: (b, 0)),
                  pl.BlockSpec((M, OC), lambda b: (b, 0)),
                  pl.BlockSpec((8, OC), lambda b: (0, 0)),
                  pl.BlockSpec((1, OC), lambda b: (0, 0)),
                  pl.BlockSpec((1, OC), lambda b: (0, 0))],
        out_specs=pl.BlockSpec((M, OC), lambda b: (b, 0)),
        out_shape=jax.ShapeDtypeStruct((B * M, OC), jnp.float32),
    )(mx, mn, st2, g2.reshape(1, OC), be2.reshape(1, OC))


def kernel(x, coor, W1, b1, g1, be1, W2, b2, g2, be2):
    indx = jax.random.permutation(jax.random.key(42), N)[:M].astype(jnp.int32)
    sidx = (jnp.arange(B, dtype=jnp.int32)[:, None] * N + indx[None, :]).reshape(-1)

    x_flat = x.reshape(B * N, C)
    coor_pad = jnp.pad(coor.reshape(B * N, 3), ((0, 0), (0, 125)))
    sx_flat, scoor_pad = _sc_sample()(x_flat, coor_pad, sidx)
    sampled_coor = scoor_pad[:, :3].reshape(B, M, 3)

    W1a = W1[:, :C]
    W1b = W1[:, C:]
    y_i32 = pl.pallas_call(
        _pack_body, grid=(B * N // 2048,),
        in_specs=[pl.BlockSpec((2048, C), lambda t: (t, 0)),
                  pl.BlockSpec((C, OC), lambda t: (0, 0))],
        out_specs=pl.BlockSpec((2048, 128), lambda t: (t, 0)),
        out_shape=jax.ShapeDtypeStruct((B * N, 128), jnp.int32),
    )(x_flat, W1b.T)
    z = _matmul(sx_flat, (W1a - W1b).T, bias=b1)

    scoorT = sampled_coor.transpose(0, 2, 1)
    coorT = coor.transpose(0, 2, 1)
    knn = _topk(scoorT, coorT)

    h1g = _sc_gather()(y_i32, knn.reshape(-1))

    st1 = _stats1(h1g, z)
    mx, mn, st2 = _mlp(h1g, z, st1, W2.T, b2, g1, be1)
    out = _final(mx, mn, st2, g2, be2).reshape(B, M, OC)
    return out, sampled_coor

# --- scband reference (transcript-rebuilt; emitter-appended) ---
"""Pipeline reference for scband-sample-and-group-18167711662781 (READ-ONLY COPY).

The authoritative reference and input builder live on the scoring server;
editing this copy changes nothing except your own understanding.
"""

import jax, jax.numpy as jnp
import numpy as np

ODR = 4
KNN = 32


def setup_inputs(seed: int = 0) -> dict:
    key = jax.random.key(seed)
    ks = jax.random.split(key, 6)
    B, N, C, OC = 8, 4096, 128, 256
    x = jax.random.normal(ks[0], (B, N, C), dtype=jnp.float32)
    coor = jax.random.normal(ks[1], (B, N, 3), dtype=jnp.float32)
    W1 = (jax.random.normal(ks[2], (OC, 2 * C), dtype=jnp.float32) / jnp.sqrt(2.0 * C)).astype(jnp.float32)
    b1 = jnp.zeros((OC,), dtype=jnp.float32)
    g1 = jnp.ones((OC,), dtype=jnp.float32)
    be1 = jnp.zeros((OC,), dtype=jnp.float32)
    W2 = (jax.random.normal(ks[3], (OC, OC), dtype=jnp.float32) / jnp.sqrt(1.0 * OC)).astype(jnp.float32)
    b2 = jnp.zeros((OC,), dtype=jnp.float32)
    g2 = jnp.ones((OC,), dtype=jnp.float32)
    be2 = jnp.zeros((OC,), dtype=jnp.float32)
    return {"x": x, "coor": coor, "W1": W1, "b1": b1, "g1": g1, "be1": be1, "W2": W2, "b2": b2, "g2": g2, "be2": be2}


def _lbr(h, W, b, g, be):
    # Linear -> BatchNorm1d (training-mode batch stats over batch and length dims) -> ReLU
    h = h @ W.T + b  # [M, L, OC]
    mean = jnp.mean(h, axis=(0, 1))
    var = jnp.var(h, axis=(0, 1))
    h = (h - mean) / jnp.sqrt(var + 1e-5) * g + be
    return jax.nn.relu(h)


def reference(x, coor, W1, b1, g1, be1, W2, b2, g2, be2):
    B, N, C = x.shape
    out_num = N // ODR
    # torch.randperm(N)[:out_num] equivalent with a fixed key
    indx = jax.random.permutation(jax.random.key(42), N)[:out_num]
    sampled_coor = coor[:, indx, :]  # [B, M, 3]
    sampled_x = x[:, indx, :]        # [B, M, C]
    # squared euclidean distance [B, M, N] (expanded form, same math)
    dist = (jnp.sum(sampled_coor ** 2, axis=-1)[:, :, None]
            + jnp.sum(coor ** 2, axis=-1)[:, None, :]
            - 2.0 * jnp.einsum('bmc,bnc->bmn', sampled_coor, coor))
    knn_index = jnp.argsort(dist, axis=-1)[:, :, :KNN]  # [B, M, K]
    repeated_x = jnp.broadcast_to(sampled_x[:, :, None, :], (B, out_num, KNN, C))
    gathered = jax.vmap(lambda xb, ib: xb[ib])(x, knn_index)  # [B, M, K, C]
    my_knn_x = gathered - repeated_x
    feat = jnp.concatenate([repeated_x, my_knn_x], axis=-1).reshape(B * out_num, KNN, 2 * C)
    h = _lbr(feat, W1, b1, g1, be1)
    h = _lbr(h, W2, b2, g2, be2)
    h = h.reshape(B, out_num, KNN, -1)
    out = jnp.max(h, axis=2)
    return (out, sampled_coor)

if __name__ == "__main__":
    import jax
    _d = setup_inputs()
    print(jax.jit(kernel)(*tuple(_d.values())))

</pallas_src>

<mosaic_0001>
#map = affine_map<(d0, d1) -> (0, 0)>
#map1 = affine_map<(d0, d1) -> (0)>
module attributes {stable_mosaic.version = 14 : i64} {
  func.func @_sc_sample_body(%arg0: i32, %arg1: i32, %arg2: memref<32768x128xf32, #tpu.memory_space<hbm>>, %arg3: memref<32768x128xf32, #tpu.memory_space<hbm>>, %arg4: memref<8192xi32, #tpu.memory_space<hbm>>, %arg5: memref<8192x128xf32, #tpu.memory_space<hbm>>, %arg6: memref<8192x128xf32, #tpu.memory_space<hbm>>, %arg7: memref<256xi32, #tpu.memory_space<vmem>>, %arg8: memref<256x128xf32, #tpu.memory_space<vmem>>, %arg9: memref<256x128xf32, #tpu.memory_space<vmem>>, %arg10: memref<!tpu.dma_semaphore, #tpu.memory_space<semaphore_mem>>, %arg11: memref<!tpu.dma_semaphore, #tpu.memory_space<semaphore_mem>>, %arg12: memref<!tpu.dma_semaphore, #tpu.memory_space<semaphore_mem>>, %arg13: memref<!tpu.dma_semaphore, #tpu.memory_space<semaphore_mem>>) attributes {dimension_semantics = [#tpu.dimension_semantics<core_parallel>, #tpu.dimension_semantics<subcore_parallel>], iteration_bounds = array<i64: 2, 16>, scalar_prefetch = 0 : i64, scratch_operands = 7 : i64, tpu.core_type = #tpu.core_type<sc_vector_subcore>, window_params = [{transform_indices = #map}, {transform_indices = #map}, {transform_indices = #map1}, {transform_indices = #map}, {transform_indices = #map}]} {
    %mul3A = arith.constant 2 : i32
    %mul3A_0 = arith.muli %arg1, %mul3A : i32
    %add3A = arith.addi %mul3A_0, %arg0 : i32
    %mul3A_1 = arith.constant 256 : i32
    %mul3A_2 = arith.muli %add3A, %mul3A_1 : i32
    "tpu.region"() ({
      %run_scoped3A = tpu.sem_alloc : memref<!tpu.dma_semaphore, #tpu.memory_space<semaphore_mem>>
      %dma_start3A_65 = tpu.memref_slice %arg4[%mul3A_2] : memref<8192xi32, #tpu.memory_space<hbm>> -> memref<256xi32, #tpu.memory_space<hbm>>
      %dma_start3A_66 = tpu.memref_slice %arg4[%mul3A_2] : memref<8192xi32, #tpu.memory_space<hbm>> -> memref<256xi32, #tpu.memory_space<hbm>>
      tpu.enqueue_dma source(%dma_start3A_66 : memref<256xi32, #tpu.memory_space<hbm>>) target(%arg7 : memref<256xi32, #tpu.memory_space<vmem>>) target_semaphore(%run_scoped3A : memref<!tpu.dma_semaphore, #tpu.memory_space<semaphore_mem>>)
      %dma_wait3A_67 = tpu.memref_slice %arg4[%mul3A_2] : memref<8192xi32, #tpu.memory_space<hbm>> -> memref<256xi32, #tpu.memory_space<hbm>>
      %dma_wait3A_68 = tpu.memref_slice %arg4[%mul3A_2] : memref<8192xi32, #tpu.memory_space<hbm>> -> memref<256xi32, #tpu.memory_space<hbm>>
      tpu.wait_dma2 semaphore(%run_scoped3A : memref<!tpu.dma_semaphore, #tpu.memory_space<semaphore_mem>>) src(%dma_wait3A_68 : memref<256xi32, #tpu.memory_space<hbm>>) dst(%arg7 : memref<256xi32, #tpu.memory_space<vmem>>)
      tpu.yield
    }) : () -> ()
    %dma_start3A = arith.constant 0 : i32
    %dma_start3A_3 = arith.constant 0 : i32
    %dma_start3A_4 = tpu.memref_slice %arg8[%dma_start3A, %dma_start3A_3] : memref<256x128xf32, #tpu.memory_space<vmem>> -> memref<128x128xf32, #tpu.memory_space<vmem>>
    %dma_start3A_5 = arith.constant 0 : i32
    %dma_start3A_6 = tpu.memref_slice %arg7[%dma_start3A_5] : memref<256xi32, #tpu.memory_space<vmem>> -> memref<128xi32, #tpu.memory_space<vmem>>
    %dma_start3A_7 = arith.constant 0 : i32
    %dma_start3A_8 = arith.constant 0 : i32
    %dma_start3A_9 = tpu.memref_slice %arg2[%dma_start3A_7, %dma_start3A_8] : memref<32768x128xf32, #tpu.memory_space<hbm>> -> memref<32768x128xf32, #tpu.memory_space<hbm>>
    tpu.enqueue_indirect_dma source(%dma_start3A_9 : memref<32768x128xf32, #tpu.memory_space<hbm>>) target(%dma_start3A_4 : memref<128x128xf32, #tpu.memory_space<vmem>>) offsets(%dma_start3A_6 : memref<128xi32, #tpu.memory_space<vmem>>) semaphore(%arg10 : memref<!tpu.dma_semaphore, #tpu.memory_space<semaphore_mem>>)
    %dma_start3A_10 = arith.constant 128 : i32
    %dma_start3A_11 = arith.constant 0 : i32
    %dma_start3A_12 = tpu.memref_slice %arg8[%dma_start3A_10, %dma_start3A_11] : memref<256x128xf32, #tpu.memory_space<vmem>> -> memref<128x128xf32, #tpu.memory_space<vmem>>
    %dma_start3A_13 = arith.constant 128 : i32
    %dma_start3A_14 = tpu.memref_slice %arg7[%dma_start3A_13] : memref<256xi32, #tpu.memory_space<vmem>> -> memref<128xi32, #tpu.memory_space<vmem>>
    %dma_start3A_15 = arith.constant 0 : i32
    %dma_start3A_16 = arith.constant 0 : i32
    %dma_start3A_17 = tpu.memref_slice %arg2[%dma_start3A_15, %dma_start3A_16] : memref<32768x128xf32, #tpu.memory_space<hbm>> -> memref<32768x128xf32, #tpu.memory_space<hbm>>
    tpu.enqueue_indirect_dma source(%dma_start3A_17 : memref<32768x128xf32, #tpu.memory_space<hbm>>) target(%dma_start3A_12 : memref<128x128xf32, #tpu.memory_space<vmem>>) offsets(%dma_start3A_14 : memref<128xi32, #tpu.memory_space<vmem>>) semaphore(%arg11 : memref<!tpu.dma_semaphore, #tpu.memory_space<semaphore_mem>>)
    %dma_start3A_18 = arith.constant 0 : i32
    %dma_start3A_19 = arith.constant 0 : i32
    %dma_start3A_20 = tpu.memref_slice %arg9[%dma_start3A_18, %dma_start3A_19] : memref<256x128xf32, #tpu.memory_space<vmem>> -> memref<128x128xf32, #tpu.memory_space<vmem>>
    %dma_start3A_21 = arith.constant 0 : i32
    %dma_start3A_22 = tpu.memref_slice %arg7[%dma_start3A_21] : memref<256xi32, #tpu.memory_space<vmem>> -> memref<128xi32, #tpu.memory_space<vmem>>
    %dma_start3A_23 = arith.constant 0 : i32
    %dma_start3A_24 = arith.constant 0 : i32
    %dma_start3A_25 = tpu.memref_slice %arg3[%dma_start3A_23, %dma_start3A_24] : memref<32768x128xf32, #tpu.memory_space<hbm>> -> memref<32768x128xf32, #tpu.memory_space<hbm>>
    tpu.enqueue_indirect_dma source(%dma_start3A_25 : memref<32768x128xf32, #tpu.memory_space<hbm>>) target(%dma_start3A_20 : memref<128x128xf32, #tpu.memory_space<vmem>>) offsets(%dma_start3A_22 : memref<128xi32, #tpu.memory_space<vmem>>) semaphore(%arg12 : memref<!tpu.dma_semaphore, #tpu.memory_space<semaphore_mem>>)
    %dma_start3A_26 = arith.constant 128 : i32
    %dma_start3A_27 = arith.constant 0 : i32
    %dma_start3A_28 = tpu.memref_slice %arg9[%dma_start3A_26, %dma_start3A_27] : memref<256x128xf32, #tpu.memory_space<vmem>> -> memref<128x128xf32, #tpu.memory_space<vmem>>
    %dma_start3A_29 = arith.constant 128 : i32
    %dma_start3A_30 = tpu.memref_slice %arg7[%dma_start3A_29] : memref<256xi32, #tpu.memory_space<vmem>> -> memref<128xi32, #tpu.memory_space<vmem>>
    %dma_start3A_31 = arith.constant 0 : i32
    %dma_start3A_32 = arith.constant 0 : i32
    %dma_start3A_33 = tpu.memref_slice %arg3[%dma_start3A_31, %dma_start3A_32] : memref<32768x128xf32, #tpu.memory_space<hbm>> -> memref<32768x128xf32, #tpu.memory_space<hbm>>
    tpu.enqueue_indirect_dma source(%dma_start3A_33 : memref<32768x128xf32, #tpu.memory_space<hbm>>) target(%dma_start3A_28 : memref<128x128xf32, #tpu.memory_space<vmem>>) offsets(%dma_start3A_30 : memref<128xi32, #tpu.memory_space<vmem>>) semaphore(%arg13 : memref<!tpu.dma_semaphore, #tpu.memory_space<semaphore_mem>>)
    %dma_wait3A = arith.constant 0 : i32
    %dma_wait3A_34 = arith.constant 0 : i32
    %dma_wait3A_35 = tpu.memref_slice %arg8[%dma_wait3A, %dma_wait3A_34] : memref<256x128xf32, #tpu.memory_space<vmem>> -> memref<128x128xf32, #tpu.memory_space<vmem>>
    %dma_wait3A_36 = arith.constant 0 : i32
    %dma_wait3A_37 = tpu.memref_slice %arg7[%dma_wait3A_36] : memref<256xi32, #tpu.memory_space<vmem>> -> memref<128xi32, #tpu.memory_space<vmem>>
    %dma_wait3A_38 = arith.constant 0 : i32
    %dma_wait3A_39 = arith.constant 0 : i32
    %dma_wait3A_40 = tpu.memref_slice %arg2[%dma_wait3A_38, %dma_wait3A_39] : memref<32768x128xf32, #tpu.memory_space<hbm>> -> memref<32768x128xf32, #tpu.memory_space<hbm>>
    tpu.wait_indirect_dma semaphore(%arg10 : memref<!tpu.dma_semaphore, #tpu.memory_space<semaphore_mem>>) src(%dma_wait3A_40 : memref<32768x128xf32, #tpu.memory_space<hbm>>) dst(%dma_wait3A_35 : memref<128x128xf32, #tpu.memory_space<vmem>>)
    %dma_wait3A_41 = arith.constant 128 : i32
    %dma_wait3A_42 = arith.constant 0 : i32
    %dma_wait3A_43 = tpu.memref_slice %arg8[%dma_wait3A_41, %dma_wait3A_42] : memref<256x128xf32, #tpu.memory_space<vmem>> -> memref<128x128xf32, #tpu.memory_space<vmem>>
    %dma_wait3A_44 = arith.constant 128 : i32
    %dma_wait3A_45 = tpu.memref_slice %arg7[%dma_wait3A_44] : memref<256xi32, #tpu.memory_space<vmem>> -> memref<128xi32, #tpu.memory_space<vmem>>
    %dma_wait3A_46 = arith.constant 0 : i32
    %dma_wait3A_47 = arith.constant 0 : i32
    %dma_wait3A_48 = tpu.memref_slice %arg2[%dma_wait3A_46, %dma_wait3A_47] : memref<32768x128xf32, #tpu.memory_space<hbm>> -> memref<32768x128xf32, #tpu.memory_space<hbm>>
    tpu.wait_indirect_dma semaphore(%arg11 : memref<!tpu.dma_semaphore, #tpu.memory_space<semaphore_mem>>) src(%dma_wait3A_48 : memref<32768x128xf32, #tpu.memory_space<hbm>>) dst(%dma_wait3A_43 : memref<128x128xf32, #tpu.memory_space<vmem>>)
    %dma_wait3A_49 = arith.constant 0 : i32
    %dma_wait3A_50 = arith.constant 0 : i32
    %dma_wait3A_51 = tpu.memref_slice %arg9[%dma_wait3A_49, %dma_wait3A_50] : memref<256x128xf32, #tpu.memory_space<vmem>> -> memref<128x128xf32, #tpu.memory_space<vmem>>
    %dma_wait3A_52 = arith.constant 0 : i32
    %dma_wait3A_53 = tpu.memref_slice %arg7[%dma_wait3A_52] : memref<256xi32, #tpu.memory_space<vmem>> -> memref<128xi32, #tpu.memory_space<vmem>>
    %dma_wait3A_54 = arith.constant 0 : i32
    %dma_wait3A_55 = arith.constant 0 : i32
    %dma_wait3A_56 = tpu.memref_slice %arg3[%dma_wait3A_54, %dma_wait3A_55] : memref<32768x128xf32, #tpu.memory_space<hbm>> -> memref<32768x128xf32, #tpu.memory_space<hbm>>
    tpu.wait_indirect_dma semaphore(%arg12 : memref<!tpu.dma_semaphore, #tpu.memory_space<semaphore_mem>>) src(%dma_wait3A_56 : memref<32768x128xf32, #tpu.memory_space<hbm>>) dst(%dma_wait3A_51 : memref<128x128xf32, #tpu.memory_space<vmem>>)
    %dma_wait3A_57 = arith.constant 128 : i32
    %dma_wait3A_58 = arith.constant 0 : i32
    %dma_wait3A_59 = tpu.memref_slice %arg9[%dma_wait3A_57, %dma_wait3A_58] : memref<256x128xf32, #tpu.memory_space<vmem>> -> memref<128x128xf32, #tpu.memory_space<vmem>>
    %dma_wait3A_60 = arith.constant 128 : i32
    %dma_wait3A_61 = tpu.memref_slice %arg7[%dma_wait3A_60] : memref<256xi32, #tpu.memory_space<vmem>> -> memref<128xi32, #tpu.memory_space<vmem>>
    %dma_wait3A_62 = arith.constant 0 : i32
    %dma_wait3A_63 = arith.constant 0 : i32
    %dma_wait3A_64 = tpu.memref_slice %arg3[%dma_wait3A_62, %dma_wait3A_63] : memref<32768x128xf32, #tpu.memory_space<hbm>> -> memref<32768x128xf32, #tpu.memory_space<hbm>>
    tpu.wait_indirect_dma semaphore(%arg13 : memref<!tpu.dma_semaphore, #tpu.memory_space<semaphore_mem>>) src(%dma_wait3A_64 : memref<32768x128xf32, #tpu.memory_space<hbm>>) dst(%dma_wait3A_59 : memref<128x128xf32, #tpu.memory_space<vmem>>)
    "tpu.region"() ({
      %run_scoped3A = tpu.sem_alloc : memref<!tpu.dma_semaphore, #tpu.memory_space<semaphore_mem>>
      %dma_start3A_65 = arith.constant 0 : i32
      %dma_start3A_66 = tpu.memref_slice %arg5[%mul3A_2, %dma_start3A_65] : memref<8192x128xf32, #tpu.memory_space<hbm>> -> memref<256x128xf32, #tpu.memory_space<hbm>>
      %dma_start3A_67 = arith.constant 0 : i32
      %dma_start3A_68 = tpu.memref_slice %arg5[%mul3A_2, %dma_start3A_67] : memref<8192x128xf32, #tpu.memory_space<hbm>> -> memref<256x128xf32, #tpu.memory_space<hbm>>
      tpu.enqueue_dma source(%arg8 : memref<256x128xf32, #tpu.memory_space<vmem>>) target(%dma_start3A_68 : memref<256x128xf32, #tpu.memory_space<hbm>>) target_semaphore(%run_scoped3A : memref<!tpu.dma_semaphore, #tpu.memory_space<semaphore_mem>>)
      %dma_wait3A_69 = arith.constant 0 : i32
      %dma_wait3A_70 = tpu.memref_slice %arg5[%mul3A_2, %dma_wait3A_69] : memref<8192x128xf32, #tpu.memory_space<hbm>> -> memref<256x128xf32, #tpu.memory_space<hbm>>
      %dma_wait3A_71 = arith.constant 0 : i32
      %dma_wait3A_72 = tpu.memref_slice %arg5[%mul3A_2, %dma_wait3A_71] : memref<8192x128xf32, #tpu.memory_space<hbm>> -> memref<256x128xf32, #tpu.memory_space<hbm>>
      tpu.wait_dma2 semaphore(%run_scoped3A : memref<!tpu.dma_semaphore, #tpu.memory_space<semaphore_mem>>) src(%arg8 : memref<256x128xf32, #tpu.memory_space<vmem>>) dst(%dma_wait3A_72 : memref<256x128xf32, #tpu.memory_space<hbm>>)
      tpu.yield
    }) : () -> ()
    "tpu.region"() ({
      %run_scoped3A = tpu.sem_alloc : memref<!tpu.dma_semaphore, #tpu.memory_space<semaphore_mem>>
      %dma_start3A_65 = arith.constant 0 : i32
      %dma_start3A_66 = tpu.memref_slice %arg6[%mul3A_2, %dma_start3A_65] : memref<8192x128xf32, #tpu.memory_space<hbm>> -> memref<256x128xf32, #tpu.memory_space<hbm>>
      %dma_start3A_67 = arith.constant 0 : i32
      %dma_start3A_68 = tpu.memref_slice %arg6[%mul3A_2, %dma_start3A_67] : memref<8192x128xf32, #tpu.memory_space<hbm>> -> memref<256x128xf32, #tpu.memory_space<hbm>>
      tpu.enqueue_dma source(%arg9 : memref<256x128xf32, #tpu.memory_space<vmem>>) target(%dma_start3A_68 : memref<256x128xf32, #tpu.memory_space<hbm>>) target_semaphore(%run_scoped3A : memref<!tpu.dma_semaphore, #tpu.memory_space<semaphore_mem>>)
      %dma_wait3A_69 = arith.constant 0 : i32
      %dma_wait3A_70 = tpu.memref_slice %arg6[%mul3A_2, %dma_wait3A_69] : memref<8192x128xf32, #tpu.memory_space<hbm>> -> memref<256x128xf32, #tpu.memory_space<hbm>>
      %dma_wait3A_71 = arith.constant 0 : i32
      %dma_wait3A_72 = tpu.memref_slice %arg6[%mul3A_2, %dma_wait3A_71] : memref<8192x128xf32, #tpu.memory_space<hbm>> -> memref<256x128xf32, #tpu.memory_space<hbm>>
      tpu.wait_dma2 semaphore(%run_scoped3A : memref<!tpu.dma_semaphore, #tpu.memory_space<semaphore_mem>>) src(%arg9 : memref<256x128xf32, #tpu.memory_space<vmem>>) dst(%dma_wait3A_72 : memref<256x128xf32, #tpu.memory_space<hbm>>)
      tpu.yield
    }) : () -> ()
    return
  }
}

#map = affine_map<(d0, d1) -> (0, 0)>
#map1 = affine_map<(d0, d1) -> (0)>
module attributes {stable_mosaic.version = 14 : i64} {
  func.func @_sc_gather_body(%arg0: i32, %arg1: i32, %arg2: memref<32768x128xi32, #tpu.memory_space<hbm>>, %arg3: memref<262144xi32, #tpu.memory_space<hbm>>, %arg4: memref<262144x128xi32, #tpu.memory_space<hbm>>, %arg5: memref<8192xi32, #tpu.memory_space<vmem>>, %arg6: memref<2x128x128xi32, #tpu.memory_space<vmem>>, %arg7: memref<!tpu.dma_semaphore, #tpu.memory_space<semaphore_mem>>, %arg8: memref<!tpu.dma_semaphore, #tpu.memory_space<semaphore_mem>>, %arg9: memref<!tpu.dma_semaphore, #tpu.memory_space<semaphore_mem>>, %arg10: memref<!tpu.dma_semaphore, #tpu.memory_space<semaphore_mem>>) attributes {dimension_semantics = [#tpu.dimension_semantics<core_parallel>, #tpu.dimension_semantics<subcore_parallel>], iteration_bounds = array<i64: 2, 16>, scalar_prefetch = 0 : i64, scratch_operands = 6 : i64, tpu.core_type = #tpu.core_type<sc_vector_subcore>, window_params = [{transform_indices = #map}, {transform_indices = #map1}, {transform_indices = #map}]} {
    %mul3A = arith.constant 2 : i32
    %mul3A_0 = arith.muli %arg1, %mul3A : i32
    %add3A = arith.addi %mul3A_0, %arg0 : i32
    %mul3A_1 = arith.constant 8192 : i32
    %mul3A_2 = arith.muli %add3A, %mul3A_1 : i32
    "tpu.region"() ({
      %run_scoped3A = tpu.sem_alloc : memref<!tpu.dma_semaphore, #tpu.memory_space<semaphore_mem>>
      %dma_start3A = tpu.memref_slice %arg3[%mul3A_2] : memref<262144xi32, #tpu.memory_space<hbm>> -> memref<8192xi32, #tpu.memory_space<hbm>>
      %dma_start3A_8 = tpu.memref_slice %arg3[%mul3A_2] : memref<262144xi32, #tpu.memory_space<hbm>> -> memref<8192xi32, #tpu.memory_space<hbm>>
      tpu.enqueue_dma source(%dma_start3A_8 : memref<8192xi32, #tpu.memory_space<hbm>>) target(%arg5 : memref<8192xi32, #tpu.memory_space<vmem>>) target_semaphore(%run_scoped3A : memref<!tpu.dma_semaphore, #tpu.memory_space<semaphore_mem>>)
      %dma_wait3A = tpu.memref_slice %arg3[%mul3A_2] : memref<262144xi32, #tpu.memory_space<hbm>> -> memref<8192xi32, #tpu.memory_space<hbm>>
      %dma_wait3A_9 = tpu.memref_slice %arg3[%mul3A_2] : memref<262144xi32, #tpu.memory_space<hbm>> -> memref<8192xi32, #tpu.memory_space<hbm>>
      tpu.wait_dma2 semaphore(%run_scoped3A : memref<!tpu.dma_semaphore, #tpu.memory_space<semaphore_mem>>) src(%dma_wait3A_9 : memref<8192xi32, #tpu.memory_space<hbm>>) dst(%arg5 : memref<8192xi32, #tpu.memory_space<vmem>>)
      tpu.yield
    }) : () -> ()
    %scan3A = arith.constant 0 : i32
    %scan3A_3 = arith.constant 0 : i32
    %scan3A_4 = arith.constant 32 : i32
    %scan3A_5 = arith.addi %scan3A_3, %scan3A_4 : i32
    %scan3A_6 = arith.constant 1 : i32
    scf.for %scan3A_8 = %scan3A_3 to %scan3A_5 step %scan3A_6  : i32 {
      %mul3A_9 = arith.constant 2 : i32
      %mul3A_10 = arith.muli %scan3A_8, %mul3A_9 : i32
      %add3A_11 = arith.constant 0 : i32
      %add3A_12 = arith.addi %mul3A_10, %add3A_11 : i32
      %mul3A_13 = arith.constant 128 : i32
      %mul3A_14 = arith.muli %add3A_12, %mul3A_13 : i32
      %dma_start3A = arith.constant 0 : i32
      %dma_start3A_15 = arith.constant 0 : i32
      %dma_start3A_16 = arith.constant 0 : i32
      %dma_start3A_17 = tpu.memref_slice %arg6[%dma_start3A, %dma_start3A_15, %dma_start3A_16] : memref<2x128x128xi32, #tpu.memory_space<vmem>> -> memref<1x128x128xi32, #tpu.memory_space<vmem>>
      %dma_start3A_18 = tpu.memref_squeeze %dma_start3A_17 : memref<1x128x128xi32, #tpu.memory_space<vmem>> -> memref<128x128xi32, #tpu.memory_space<vmem>>
      %dma_start3A_19 = tpu.memref_slice %arg5[%mul3A_14] : memref<8192xi32, #tpu.memory_space<vmem>> -> memref<128xi32, #tpu.memory_space<vmem>>
      %dma_start3A_20 = arith.constant 0 : i32
      %dma_start3A_21 = arith.constant 0 : i32
      %dma_start3A_22 = tpu.memref_slice %arg2[%dma_start3A_20, %dma_start3A_21] : memref<32768x128xi32, #tpu.memory_space<hbm>> -> memref<32768x128xi32, #tpu.memory_space<hbm>>
      tpu.enqueue_indirect_dma source(%dma_start3A_22 : memref<32768x128xi32, #tpu.memory_space<hbm>>) target(%dma_start3A_18 : memref<128x128xi32, #tpu.memory_space<vmem>>) offsets(%dma_start3A_19 : memref<128xi32, #tpu.memory_space<vmem>>) semaphore(%arg7 : memref<!tpu.dma_semaphore, #tpu.memory_space<semaphore_mem>>)
      %add3A_23 = arith.constant 1 : i32
      %add3A_24 = arith.addi %mul3A_10, %add3A_23 : i32
      %mul3A_25 = arith.constant 128 : i32
      %mul3A_26 = arith.muli %add3A_24, %mul3A_25 : i32
      %dma_start3A_27 = arith.constant 1 : i32
      %dma_start3A_28 = arith.constant 0 : i32
      %dma_start3A_29 = arith.constant 0 : i32
      %dma_start3A_30 = tpu.memref_slice %arg6[%dma_start3A_27, %dma_start3A_28, %dma_start3A_29] : memref<2x128x128xi32, #tpu.memory_space<vmem>> -> memref<1x128x128xi32, #tpu.memory_space<vmem>>
      %dma_start3A_31 = tpu.memref_squeeze %dma_start3A_30 : memref<1x128x128xi32, #tpu.memory_space<vmem>> -> memref<128x128xi32, #tpu.memory_space<vmem>>
      %dma_start3A_32 = tpu.memref_slice %arg5[%mul3A_26] : memref<8192xi32, #tpu.memory_space<vmem>> -> memref<128xi32, #tpu.memory_space<vmem>>
      %dma_start3A_33 = arith.constant 0 : i32
      %dma_start3A_34 = arith.constant 0 : i32
      %dma_start3A_35 = tpu.memref_slice %arg2[%dma_start3A_33, %dma_start3A_34] : memref<32768x128xi32, #tpu.memory_space<hbm>> -> memref<32768x128xi32, #tpu.memory_space<hbm>>
      tpu.enqueue_indirect_dma source(%dma_start3A_35 : memref<32768x128xi32, #tpu.memory_space<hbm>>) target(%dma_start3A_31 : memref<128x128xi32, #tpu.memory_space<vmem>>) offsets(%dma_start3A_32 : memref<128xi32, #tpu.memory_space<vmem>>) semaphore(%arg8 : memref<!tpu.dma_semaphore, #tpu.memory_space<semaphore_mem>>)
      %dma_wait3A = arith.constant 0 : i32
      %dma_wait3A_36 = arith.constant 0 : i32
      %dma_wait3A_37 = arith.constant 0 : i32
      %dma_wait3A_38 = tpu.memref_slice %arg6[%dma_wait3A, %dma_wait3A_36, %dma_wait3A_37] : memref<2x128x128xi32, #tpu.memory_space<vmem>> -> memref<1x128x128xi32, #tpu.memory_space<vmem>>
      %dma_wait3A_39 = tpu.memref_squeeze %dma_wait3A_38 : memref<1x128x128xi32, #tpu.memory_space<vmem>> -> memref<128x128xi32, #tpu.memory_space<vmem>>
      %dma_wait3A_40 = tpu.memref_slice %arg5[%mul3A_14] : memref<8192xi32, #tpu.memory_space<vmem>> -> memref<128xi32, #tpu.memory_space<vmem>>
      %dma_wait3A_41 = arith.constant 0 : i32
      %dma_wait3A_42 = arith.constant 0 : i32
      %dma_wait3A_43 = tpu.memref_slice %arg2[%dma_wait3A_41, %dma_wait3A_42] : memref<32768x128xi32, #tpu.memory_space<hbm>> -> memref<32768x128xi32, #tpu.memory_space<hbm>>
      tpu.wait_indirect_dma semaphore(%arg7 : memref<!tpu.dma_semaphore, #tpu.memory_space<semaphore_mem>>) src(%dma_wait3A_43 : memref<32768x128xi32, #tpu.memory_space<hbm>>) dst(%dma_wait3A_39 : memref<128x128xi32, #tpu.memory_space<vmem>>)
      %add3A_44 = arith.constant 0 : i32
      %add3A_45 = arith.addi %mul3A_10, %add3A_44 : i32
      %mul3A_46 = arith.constant 128 : i32
      %mul3A_47 = arith.muli %add3A_45, %mul3A_46 : i32
      %add3A_48 = arith.addi %mul3A_2, %mul3A_47 : i32
      %dma_start3A_49 = arith.constant 0 : i32
      %dma_start3A_50 = arith.constant 0 : i32
      %dma_start3A_51 = arith.constant 0 : i32
      %dma_start3A_52 = tpu.memref_slice %arg6[%dma_start3A_49, %dma_start3A_50, %dma_start3A_51] : memref<2x128x128xi32, #tpu.memory_space<vmem>> -> memref<1x128x128xi32, #tpu.memory_space<vmem>>
      %dma_start3A_53 = tpu.memref_squeeze %dma_start3A_52 : memref<1x128x128xi32, #tpu.memory_space<vmem>> -> memref<128x128xi32, #tpu.memory_space<vmem>>
      %dma_start3A_54 = arith.constant 0 : i32
      %dma_start3A_55 = tpu.memref_slice %arg4[%add3A_48, %dma_start3A_54] : memref<262144x128xi32, #tpu.memory_space<hbm>> -> memref<128x128xi32, #tpu.memory_space<hbm>>
      %dma_start3A_56 = arith.constant 0 : i32
      %dma_start3A_57 = tpu.memref_slice %arg4[%add3A_48, %dma_start3A_56] : memref<262144x128xi32, #tpu.memory_space<hbm>> -> memref<128x128xi32, #tpu.memory_space<hbm>>
      %dma_start3A_58 = arith.constant 0 : i32
      %dma_start3A_59 = arith.constant 0 : i32
      %dma_start3A_60 = tpu.memref_slice %arg6[%dma_start3A_49, %dma_start3A_58, %dma_start3A_59] : memref<2x128x128xi32, #tpu.memory_space<vmem>> -> memref<1x128x128xi32, #tpu.memory_space<vmem>>
      %dma_start3A_61 = tpu.memref_squeeze %dma_start3A_60 : memref<1x128x128xi32, #tpu.memory_space<vmem>> -> memref<128x128xi32, #tpu.memory_space<vmem>>
      tpu.enqueue_dma source(%dma_start3A_61 : memref<128x128xi32, #tpu.memory_space<vmem>>) target(%dma_start3A_57 : memref<128x128xi32, #tpu.memory_space<hbm>>) target_semaphore(%arg9 : memref<!tpu.dma_semaphore, #tpu.memory_space<semaphore_mem>>)
      %dma_wait3A_62 = arith.constant 1 : i32
      %dma_wait3A_63 = arith.constant 0 : i32
      %dma_wait3A_64 = arith.constant 0 : i32
      %dma_wait3A_65 = tpu.memref_slice %arg6[%dma_wait3A_62, %dma_wait3A_63, %dma_wait3A_64] : memref<2x128x128xi32, #tpu.memory_space<vmem>> -> memref<1x128x128xi32, #tpu.memory_space<vmem>>
      %dma_wait3A_66 = tpu.memref_squeeze %dma_wait3A_65 : memref<1x128x128xi32, #tpu.memory_space<vmem>> -> memref<128x128xi32, #tpu.memory_space<vmem>>
      %dma_wait3A_67 = tpu.memref_slice %arg5[%mul3A_26] : memref<8192xi32, #tpu.memory_space<vmem>> -> memref<128xi32, #tpu.memory_space<vmem>>
      %dma_wait3A_68 = arith.constant 0 : i32
      %dma_wait3A_69 = arith.constant 0 : i32
      %dma_wait3A_70 = tpu.memref_slice %arg2[%dma_wait3A_68, %dma_wait3A_69] : memref<32768x128xi32, #tpu.memory_space<hbm>> -> memref<32768x128xi32, #tpu.memory_space<hbm>>
      tpu.wait_indirect_dma semaphore(%arg8 : memref<!tpu.dma_semaphore, #tpu.memory_space<semaphore_mem>>) src(%dma_wait3A_70 : memref<32768x128xi32, #tpu.memory_space<hbm>>) dst(%dma_wait3A_66 : memref<128x128xi32, #tpu.memory_space<vmem>>)
      %add3A_71 = arith.constant 1 : i32
      %add3A_72 = arith.addi %mul3A_10, %add3A_71 : i32
      %mul3A_73 = arith.constant 128 : i32
      %mul3A_74 = arith.muli %add3A_72, %mul3A_73 : i32
      %add3A_75 = arith.addi %mul3A_2, %mul3A_74 : i32
      %dma_start3A_76 = arith.constant 1 : i32
      %dma_start3A_77 = arith.constant 0 : i32
      %dma_start3A_78 = arith.constant 0 : i32
      %dma_start3A_79 = tpu.memref_slice %arg6[%dma_start3A_76, %dma_start3A_77, %dma_start3A_78] : memref<2x128x128xi32, #tpu.memory_space<vmem>> -> memref<1x128x128xi32, #tpu.memory_space<vmem>>
      %dma_start3A_80 = tpu.memref_squeeze %dma_start3A_79 : memref<1x128x128xi32, #tpu.memory_space<vmem>> -> memref<128x128xi32, #tpu.memory_space<vmem>>
      %dma_start3A_81 = arith.constant 0 : i32
      %dma_start3A_82 = tpu.memref_slice %arg4[%add3A_75, %dma_start3A_81] : memref<262144x128xi32, #tpu.memory_space<hbm>> -> memref<128x128xi32, #tpu.memory_space<hbm>>
      %dma_start3A_83 = arith.constant 0 : i32
      %dma_start3A_84 = tpu.memref_slice %arg4[%add3A_75, %dma_start3A_83] : memref<262144x128xi32, #tpu.memory_space<hbm>> -> memref<128x128xi32, #tpu.memory_space<hbm>>
      %dma_start3A_85 = arith.constant 0 : i32
      %dma_start3A_86 = arith.constant 0 : i32
      %dma_start3A_87 = tpu.memref_slice %arg6[%dma_start3A_76, %dma_start3A_85, %dma_start3A_86] : memref<2x128x128xi32, #tpu.memory_space<vmem>> -> memref<1x128x128xi32, #tpu.memory_space<vmem>>
      %dma_start3A_88 = tpu.memref_squeeze %dma_start3A_87 : memref<1x128x128xi32, #tpu.memory_space<vmem>> -> memref<128x128xi32, #tpu.memory_space<vmem>>
      tpu.enqueue_dma source(%dma_start3A_88 : memref<128x128xi32, #tpu.memory_space<vmem>>) target(%dma_start3A_84 : memref<128x128xi32, #tpu.memory_space<hbm>>) target_semaphore(%arg10 : memref<!tpu.dma_semaphore, #tpu.memory_space<semaphore_mem>>)
      %dma_wait3A_89 = arith.constant 0 : i32
      %dma_wait3A_90 = arith.constant 0 : i32
      %dma_wait3A_91 = arith.constant 0 : i32
      %dma_wait3A_92 = tpu.memref_slice %arg6[%dma_wait3A_89, %dma_wait3A_90, %dma_wait3A_91] : memref<2x128x128xi32, #tpu.memory_space<vmem>> -> memref<1x128x128xi32, #tpu.memory_space<vmem>>
      %dma_wait3A_93 = tpu.memref_squeeze %dma_wait3A_92 : memref<1x128x128xi32, #tpu.memory_space<vmem>> -> memref<128x128xi32, #tpu.memory_space<vmem>>
      %dma_wait3A_94 = arith.constant 0 : i32
      %dma_wait3A_95 = tpu.memref_slice %arg4[%add3A_48, %dma_wait3A_94] : memref<262144x128xi32, #tpu.memory_space<hbm>> -> memref<128x128xi32, #tpu.memory_space<hbm>>
      %dma_wait3A_96 = arith.constant 0 : i32
      %dma_wait3A_97 = tpu.memref_slice %arg4[%add3A_48, %dma_wait3A_96] : memref<262144x128xi32, #tpu.memory_space<hbm>> -> memref<128x128xi32, #tpu.memory_space<hbm>>
      %dma_wait3A_98 = arith.constant 0 : i32
      %dma_wait3A_99 = arith.constant 0 : i32
      %dma_wait3A_100 = tpu.memref_slice %arg6[%dma_wait3A_89, %dma_wait3A_98, %dma_wait3A_99] : memref<2x128x128xi32, #tpu.memory_space<vmem>> -> memref<1x128x128xi32, #tpu.memory_space<vmem>>
      %dma_wait3A_101 = tpu.memref_squeeze %dma_wait3A_100 : memref<1x128x128xi32, #tpu.memory_space<vmem>> -> memref<128x128xi32, #tpu.memory_space<vmem>>
      tpu.wait_dma2 semaphore(%arg9 : memref<!tpu.dma_semaphore, #tpu.memory_space<semaphore_mem>>) src(%dma_wait3A_101 : memref<128x128xi32, #tpu.memory_space<vmem>>) dst(%dma_wait3A_97 : memref<128x128xi32, #tpu.memory_space<hbm>>)
      %dma_wait3A_102 = arith.constant 1 : i32
      %dma_wait3A_103 = arith.constant 0 : i32
      %dma_wait3A_104 = arith.constant 0 : i32
      %dma_wait3A_105 = tpu.memref_slice %arg6[%dma_wait3A_102, %dma_wait3A_103, %dma_wait3A_104] : memref<2x128x128xi32, #tpu.memory_space<vmem>> -> memref<1x128x128xi32, #tpu.memory_space<vmem>>
      %dma_wait3A_106 = tpu.memref_squeeze %dma_wait3A_105 : memref<1x128x128xi32, #tpu.memory_space<vmem>> -> memref<128x128xi32, #tpu.memory_space<vmem>>
      %dma_wait3A_107 = arith.constant 0 : i32
      %dma_wait3A_108 = tpu.memref_slice %arg4[%add3A_75, %dma_wait3A_107] : memref<262144x128xi32, #tpu.memory_space<hbm>> -> memref<128x128xi32, #tpu.memory_space<hbm>>
      %dma_wait3A_109 = arith.constant 0 : i32
      %dma_wait3A_110 = tpu.memref_slice %arg4[%add3A_75, %dma_wait3A_109] : memref<262144x128xi32, #tpu.memory_space<hbm>> -> memref<128x128xi32, #tpu.memory_space<hbm>>
      %dma_wait3A_111 = arith.constant 0 : i32
      %dma_wait3A_112 = arith.constant 0 : i32
      %dma_wait3A_113 = tpu.memref_slice %arg6[%dma_wait3A_102, %dma_wait3A_111, %dma_wait3A_112] : memref<2x128x128xi32, #tpu.memory_space<vmem>> -> memref<1x128x128xi32, #tpu.memory_space<vmem>>
      %dma_wait3A_114 = tpu.memref_squeeze %dma_wait3A_113 : memref<1x128x128xi32, #tpu.memory_space<vmem>> -> memref<128x128xi32, #tpu.memory_space<vmem>>
      tpu.wait_dma2 semaphore(%arg10 : memref<!tpu.dma_semaphore, #tpu.memory_space<semaphore_mem>>) src(%dma_wait3A_114 : memref<128x128xi32, #tpu.memory_space<vmem>>) dst(%dma_wait3A_110 : memref<128x128xi32, #tpu.memory_space<hbm>>)
    }
    %scan3A_7 = arith.constant 32 : i32
    return
  }
}

module attributes {stable_mosaic.version = 14 : i64} {
  func.func @_pack_body(%arg0: i32, %arg1: memref<2048x128xf32, #tpu.memory_space<vmem>>, %arg2: memref<128x256xf32, #tpu.memory_space<vmem>>, %arg3: memref<2048x128xi32, #tpu.memory_space<vmem>>) attributes {dimension_semantics = [#tpu.dimension_semantics<arbitrary>], iteration_bounds = array<i64: 16>, scalar_prefetch = 0 : i64, scratch_operands = 0 : i64, tpu.core_type = #tpu.core_type<tc>, window_params = [{transform_indices = @transform_0, window_bounds = array<i64: 2048, 128>}, {pipeline_mode = #tpu.pipeline_mode<synchronous>, transform_indices = @transform_1, window_bounds = array<i64: 128, 256>}, {transform_indices = @transform_2, window_bounds = array<i64: 2048, 128>}]} {
    %get3A = arith.constant 0 : index
    %get3A_0 = arith.constant 0 : index
    %get3A_1 = vector.load %arg1[%get3A, %get3A_0] : memref<2048x128xf32, #tpu.memory_space<vmem>>, vector<2048x128xf32>
    %get3A_2 = arith.constant 0 : index
    %get3A_3 = arith.constant 0 : index
    %get3A_4 = vector.load %arg2[%get3A_2, %get3A_3] : memref<128x256xf32, #tpu.memory_space<vmem>>, vector<128x256xf32>
    %dot_general3A = arith.constant dense<0.000000e+00> : vector<2048x256xf32>
    %dot_general3A_5 = tpu.matmul %get3A_1, %get3A_4, %dot_general3A {dimension_numbers = #tpu.dot_dimension_numbers<[1], [0], [0], [1], [0, 0, 1, 1], [], []>, transpose_lhs_hint = false} : vector<2048x128xf32>, vector<128x256xf32>, vector<2048x256xf32> -> vector<2048x256xf32>
    %convert_element_type3A = arith.truncf %dot_general3A_5 : vector<2048x256xf32> to vector<2048x256xbf16>
    %slice3A = vector.extract_strided_slice %convert_element_type3A {offsets = [0, 0], sizes = [2048, 128], strides = [1, 1]} : vector<2048x256xbf16> to vector<2048x128xbf16>
    %bitcast_convert_type3A = tpu.bitcast %slice3A : vector<2048x128xbf16> -> vector<2048x128xi16>
    %convert_element_type3A_6 = arith.extui %bitcast_convert_type3A : vector<2048x128xi16> to vector<2048x128xi32>
    %slice3A_7 = vector.extract_strided_slice %convert_element_type3A {offsets = [0, 128], sizes = [2048, 128], strides = [1, 1]} : vector<2048x256xbf16> to vector<2048x128xbf16>
    %bitcast_convert_type3A_8 = tpu.bitcast %slice3A_7 : vector<2048x128xbf16> -> vector<2048x128xi16>
    %convert_element_type3A_9 = arith.extui %bitcast_convert_type3A_8 : vector<2048x128xi16> to vector<2048x128xi32>
    %shift_left3A = arith.constant 16 : i32
    %shift_left3A_10 = vector.broadcast %shift_left3A : i32 to vector<2048x128xi32>
    %shift_left3A_11 = arith.shli %convert_element_type3A_9, %shift_left3A_10 : vector<2048x128xi32>
    %or3A = arith.ori %convert_element_type3A_6, %shift_left3A_11 : vector<2048x128xi32>
    %bitcast_convert_type3A_12 = tpu.bitcast %or3A : vector<2048x128xi32> -> vector<2048x128xi32>
    %swap3A = arith.constant 0 : index
    %swap3A_13 = arith.constant 0 : index
    %swap3A_14 = vector.load %arg3[%swap3A, %swap3A_13] : memref<2048x128xi32, #tpu.memory_space<vmem>>, vector<2048x128xi32>
    tpu.vector_store %arg3[%swap3A, %swap3A_13], %bitcast_convert_type3A_12 {strides = array<i32>} : memref<2048x128xi32, #tpu.memory_space<vmem>>, vector<2048x128xi32>,
    return
  }
  func.func @transform_0(%arg0: i32) -> (i32, i32) {
    %c0_i32 = arith.constant 0 : i32
    %c0_i32_0 = arith.constant 0 : i32
    return %arg0, %c0_i32 : i32, i32
  }
  func.func @transform_1(%arg0: i32) -> (i32, i32) {
    %c0_i32 = arith.constant 0 : i32
    %c0_i32_0 = arith.constant 0 : i32
    %c0_i32_1 = arith.constant 0 : i32
    return %c0_i32, %c0_i32_0 : i32, i32
  }
  func.func @transform_2(%arg0: i32) -> (i32, i32) {
    %c0_i32 = arith.constant 0 : i32
    %c0_i32_0 = arith.constant 0 : i32
    return %arg0, %c0_i32 : i32, i32
  }
}

module attributes {stable_mosaic.version = 14 : i64} {
  func.func @_topk_body(%arg0: i32, %arg1: i32, %arg2: memref<1x3x1024xf32, #tpu.memory_space<vmem>>, %arg3: memref<1x3x4096xf32, #tpu.memory_space<vmem>>, %arg4: memref<1x1024x32xi32, #tpu.memory_space<vmem>>, %arg5: memref<1024x4096xf32, #tpu.memory_space<vmem>>) attributes {dimension_semantics = [#tpu.dimension_semantics<arbitrary>, #tpu.dimension_semantics<arbitrary>], iteration_bounds = array<i64: 8, 1>, scalar_prefetch = 0 : i64, scratch_operands = 1 : i64, tpu.core_type = #tpu.core_type<tc>, window_params = [{transform_indices = @transform_0, window_bounds = array<i64: 1, 3, 1024>}, {transform_indices = @transform_1, window_bounds = array<i64: 1, 3, 4096>}, {transform_indices = @transform_2, window_bounds = array<i64: 1, 1024, 32>}]} {
    %get3A = arith.constant 0 : index
    %get3A_0 = arith.constant 0 : index
    %get3A_1 = arith.constant 0 : index
    %get3A_2 = vector.load %arg2[%get3A, %get3A_0, %get3A_1] : memref<1x3x1024xf32, #tpu.memory_space<vmem>>, vector<1x3x1024xf32>
    %get3A_3 = vector.shape_cast %get3A_2 : vector<1x3x1024xf32> to vector<3x1024xf32>
    %get3A_4 = arith.constant 0 : index
    %get3A_5 = arith.constant 0 : index
    %get3A_6 = arith.constant 0 : index
    %get3A_7 = vector.load %arg3[%get3A_4, %get3A_5, %get3A_6] : memref<1x3x4096xf32, #tpu.memory_space<vmem>>, vector<1x3x4096xf32>
    %get3A_8 = vector.shape_cast %get3A_7 : vector<1x3x4096xf32> to vector<3x4096xf32>
    %slice3A = vector.extract_strided_slice %get3A_3 {offsets = [0, 0], sizes = [1, 1024], strides = [1, 1]} : vector<3x1024xf32> to vector<1x1024xf32>
    %squeeze3A = vector.shape_cast %slice3A : vector<1x1024xf32> to vector<1024xf32>
    %slice3A_9 = vector.extract_strided_slice %get3A_3 {offsets = [0, 0], sizes = [1, 1024], strides = [1, 1]} : vector<3x1024xf32> to vector<1x1024xf32>
    %squeeze3A_10 = vector.shape_cast %slice3A_9 : vector<1x1024xf32> to vector<1024xf32>
    %mul3A = arith.mulf %squeeze3A, %squeeze3A_10 : vector<1024xf32>
    %slice3A_11 = vector.extract_strided_slice %get3A_3 {offsets = [1, 0], sizes = [1, 1024], strides = [1, 1]} : vector<3x1024xf32> to vector<1x1024xf32>
    %squeeze3A_12 = vector.shape_cast %slice3A_11 : vector<1x1024xf32> to vector<1024xf32>
    %slice3A_13 = vector.extract_strided_slice %get3A_3 {offsets = [1, 0], sizes = [1, 1024], strides = [1, 1]} : vector<3x1024xf32> to vector<1x1024xf32>
    %squeeze3A_14 = vector.shape_cast %slice3A_13 : vector<1x1024xf32> to vector<1024xf32>
    %mul3A_15 = arith.mulf %squeeze3A_12, %squeeze3A_14 : vector<1024xf32>
    %add3A = arith.addf %mul3A, %mul3A_15 : vector<1024xf32>
    %slice3A_16 = vector.extract_strided_slice %get3A_3 {offsets = [2, 0], sizes = [1, 1024], strides = [1, 1]} : vector<3x1024xf32> to vector<1x1024xf32>
    %squeeze3A_17 = vector.shape_cast %slice3A_16 : vector<1x1024xf32> to vector<1024xf32>
    %slice3A_18 = vector.extract_strided_slice %get3A_3 {offsets = [2, 0], sizes = [1, 1024], strides = [1, 1]} : vector<3x1024xf32> to vector<1x1024xf32>
    %squeeze3A_19 = vector.shape_cast %slice3A_18 : vector<1x1024xf32> to vector<1024xf32>
    %mul3A_20 = arith.mulf %squeeze3A_17, %squeeze3A_19 : vector<1024xf32>
    %add3A_21 = arith.addf %add3A, %mul3A_20 : vector<1024xf32>
    %slice3A_22 = vector.extract_strided_slice %get3A_8 {offsets = [0, 0], sizes = [1, 4096], strides = [1, 1]} : vector<3x4096xf32> to vector<1x4096xf32>
    %squeeze3A_23 = vector.shape_cast %slice3A_22 : vector<1x4096xf32> to vector<4096xf32>
    %slice3A_24 = vector.extract_strided_slice %get3A_8 {offsets = [0, 0], sizes = [1, 4096], strides = [1, 1]} : vector<3x4096xf32> to vector<1x4096xf32>
    %squeeze3A_25 = vector.shape_cast %slice3A_24 : vector<1x4096xf32> to vector<4096xf32>
    %mul3A_26 = arith.mulf %squeeze3A_23, %squeeze3A_25 : vector<4096xf32>
    %slice3A_27 = vector.extract_strided_slice %get3A_8 {offsets = [1, 0], sizes = [1, 4096], strides = [1, 1]} : vector<3x4096xf32> to vector<1x4096xf32>
    %squeeze3A_28 = vector.shape_cast %slice3A_27 : vector<1x4096xf32> to vector<4096xf32>
    %slice3A_29 = vector.extract_strided_slice %get3A_8 {offsets = [1, 0], sizes = [1, 4096], strides = [1, 1]} : vector<3x4096xf32> to vector<1x4096xf32>
    %squeeze3A_30 = vector.shape_cast %slice3A_29 : vector<1x4096xf32> to vector<4096xf32>
    %mul3A_31 = arith.mulf %squeeze3A_28, %squeeze3A_30 : vector<4096xf32>
    %add3A_32 = arith.addf %mul3A_26, %mul3A_31 : vector<4096xf32>
    %slice3A_33 = vector.extract_strided_slice %get3A_8 {offsets = [2, 0], sizes = [1, 4096], strides = [1, 1]} : vector<3x4096xf32> to vector<1x4096xf32>
    %squeeze3A_34 = vector.shape_cast %slice3A_33 : vector<1x4096xf32> to vector<4096xf32>
    %slice3A_35 = vector.extract_strided_slice %get3A_8 {offsets = [2, 0], sizes = [1, 4096], strides = [1, 1]} : vector<3x4096xf32> to vector<1x4096xf32>
    %squeeze3A_36 = vector.shape_cast %slice3A_35 : vector<1x4096xf32> to vector<4096xf32>
    %mul3A_37 = arith.mulf %squeeze3A_34, %squeeze3A_36 : vector<4096xf32>
    %add3A_38 = arith.addf %add3A_32, %mul3A_37 : vector<4096xf32>
    %dot_general3A = arith.constant dense<0.000000e+00> : vector<1024x4096xf32>
    %dot_general3A_39 = tpu.matmul %get3A_3, %get3A_8, %dot_general3A {dimension_numbers = #tpu.dot_dimension_numbers<[0], [0], [1], [1], [0, 1, 1, 1], [], []>, transpose_lhs_hint = false} : vector<3x1024xf32>, vector<3x4096xf32>, vector<1024x4096xf32> -> vector<1024x4096xf32>
    %broadcast_in_dim3A = vector.shape_cast %add3A_21 : vector<1024xf32> to vector<1024x1xf32>
    %broadcast_in_dim3A_40 = vector.shape_cast %add3A_38 : vector<4096xf32> to vector<1x4096xf32>
    %add3A_41 = vector.broadcast %broadcast_in_dim3A : vector<1024x1xf32> to vector<1024x4096xf32>
    %add3A_42 = vector.broadcast %broadcast_in_dim3A_40 : vector<1x4096xf32> to vector<1024x4096xf32>
    %add3A_43 = arith.addf %add3A_41, %add3A_42 : vector<1024x4096xf32>
    %mul3A_44 = arith.constant 2.000000e+00 : f32
    %mul3A_45 = vector.broadcast %mul3A_44 : f32 to vector<1024x4096xf32>
    %mul3A_46 = arith.mulf %mul3A_45, %dot_general3A_39 : vector<1024x4096xf32>
    %sub3A = arith.subf %add3A_43, %mul3A_46 : vector<1024x4096xf32>
    %swap3A = arith.constant 0 : index
    %swap3A_47 = arith.constant 0 : index
    %swap3A_48 = vector.load %arg5[%swap3A, %swap3A_47] : memref<1024x4096xf32, #tpu.memory_space<vmem>>, vector<1024x4096xf32>
    tpu.vector_store %arg5[%swap3A, %swap3A_47], %sub3A {strides = array<i32>} : memref<1024x4096xf32, #tpu.memory_space<vmem>>, vector<1024x4096xf32>,
    %iota3A = tpu.iota {dimensions = array<i32: 1>} : vector<1024x4096xi32>
    %iota3A_49 = tpu.iota {dimensions = array<i32: 1>} : vector<1024x32xi32>
    %broadcast_in_dim3A_50 = arith.constant 0 : i32
    %broadcast_in_dim3A_51 = vector.broadcast %broadcast_in_dim3A_50 : i32 to vector<1024x32xi32>
    %scan3A = arith.constant 0 : i32
    %scan3A_52 = arith.constant 32 : i32
    %scan3A_53 = arith.addi %scan3A, %scan3A_52 : i32
    %scan3A_54 = arith.constant 1 : i32
    %scan3A_55 = scf.for %scan3A_67 = %scan3A to %scan3A_53 step %scan3A_54 iter_args(%scan3A_68 = %broadcast_in_dim3A_51) -> (vector<1024x32xi32>)  : i32 {
      %get3A_69 = arith.constant 0 : index
      %get3A_70 = arith.constant 0 : index
      %get3A_71 = vector.load %arg5[%get3A_69, %get3A_70] : memref<1024x4096xf32, #tpu.memory_space<vmem>>, vector<1024x4096xf32>
      %reduce_min3A = arith.constant dense<0x7F800000> : vector<1024xf32>
      %reduce_min3A_72 = vector.multi_reduction <minimumf>, %get3A_71, %reduce_min3A [1] : vector<1024x4096xf32> to vector<1024xf32>
      %broadcast_in_dim3A_73 = vector.shape_cast %reduce_min3A_72 : vector<1024xf32> to vector<1024x1xf32>
      %eq3A = vector.broadcast %broadcast_in_dim3A_73 : vector<1024x1xf32> to vector<1024x4096xf32>
      %eq3A_74 = arith.cmpf oeq, %get3A_71, %eq3A : vector<1024x4096xf32>
      %jit3A = arith.constant 4096 : i32
      %broadcast_in_dim3A_75 = vector.broadcast %jit3A : i32 to vector<1024x4096xi32>
      %select_n3A = arith.select %eq3A_74, %iota3A, %broadcast_in_dim3A_75 : vector<1024x4096xi1>, vector<1024x4096xi32>
      %reduce_min3A_76 = arith.constant dense<2147483647> : vector<1024xi32>
      %reduce_min3A_77 = vector.multi_reduction <minsi>, %select_n3A, %reduce_min3A_76 [1] : vector<1024x4096xi32> to vector<1024xi32>
      %broadcast_in_dim3A_78 = vector.shape_cast %reduce_min3A_77 : vector<1024xi32> to vector<1024x1xi32>
      %eq3A_79 = vector.broadcast %broadcast_in_dim3A_78 : vector<1024x1xi32> to vector<1024x4096xi32>
      %eq3A_80 = arith.cmpi eq, %iota3A, %eq3A_79 : vector<1024x4096xi32>
      %jit3A_81 = arith.constant 0x7F800000 : f32
      %broadcast_in_dim3A_82 = vector.broadcast %jit3A_81 : f32 to vector<1024x4096xf32>
      %select_n3A_83 = arith.select %eq3A_80, %broadcast_in_dim3A_82, %get3A_71 : vector<1024x4096xi1>, vector<1024x4096xf32>
      %swap3A_84 = arith.constant 0 : index
      %swap3A_85 = arith.constant 0 : index
      %swap3A_86 = vector.load %arg5[%swap3A_84, %swap3A_85] : memref<1024x4096xf32, #tpu.memory_space<vmem>>, vector<1024x4096xf32>
      tpu.vector_store %arg5[%swap3A_84, %swap3A_85], %select_n3A_83 {strides = array<i32>} : memref<1024x4096xf32, #tpu.memory_space<vmem>>, vector<1024x4096xf32>,
      %eq3A_87 = vector.broadcast %scan3A_67 : i32 to vector<1024x32xi32>
      %eq3A_88 = arith.cmpi eq, %iota3A_49, %eq3A_87 : vector<1024x32xi32>
      %broadcast_in_dim3A_89 = vector.shape_cast %broadcast_in_dim3A_78 : vector<1024x1xi32> to vector<1024x1xi32>
      %broadcast_in_dim3A_90 = vector.broadcast %broadcast_in_dim3A_89 : vector<1024x1xi32> to vector<1024x32xi32>
      %select_n3A_91 = arith.select %eq3A_88, %broadcast_in_dim3A_90, %scan3A_68 : vector<1024x32xi1>, vector<1024x32xi32>
      scf.yield %select_n3A_91 : vector<1024x32xi32>
    }
    %scan3A_56 = arith.constant 32 : i32
    %mul3A_57 = arith.constant 4096 : i32
    %mul3A_58 = arith.muli %arg0, %mul3A_57 : i32
    %add3A_59 = vector.broadcast %mul3A_58 : i32 to vector<1024x32xi32>
    %add3A_60 = arith.addi %scan3A_55, %add3A_59 : vector<1024x32xi32>
    %swap3A_61 = arith.constant 0 : index
    %swap3A_62 = arith.constant 0 : index
    %swap3A_63 = arith.constant 0 : index
    %swap3A_64 = vector.load %arg4[%swap3A_61, %swap3A_62, %swap3A_63] : memref<1x1024x32xi32, #tpu.memory_space<vmem>>, vector<1x1024x32xi32>
    %swap3A_65 = vector.shape_cast %swap3A_64 : vector<1x1024x32xi32> to vector<1024x32xi32>
    %swap3A_66 = vector.shape_cast %add3A_60 : vector<1024x32xi32> to vector<1x1024x32xi32>
    tpu.vector_store %arg4[%swap3A_61, %swap3A_62, %swap3A_63], %swap3A_66 {strides = array<i32>} : memref<1x1024x32xi32, #tpu.memory_space<vmem>>, vector<1x1024x32xi32>,
    return
  }
  func.func @transform_0(%arg0: i32, %arg1: i32) -> (i32, i32, i32) {
    %c0_i32 = arith.constant 0 : i32
    %c0_i32_0 = arith.constant 0 : i32
    return %arg0, %c0_i32, %arg1 : i32, i32, i32
  }
  func.func @transform_1(%arg0: i32, %arg1: i32) -> (i32, i32, i32) {
    %c0_i32 = arith.constant 0 : i32
    %c0_i32_0 = arith.constant 0 : i32
    %c0_i32_1 = arith.constant 0 : i32
    return %arg0, %c0_i32, %c0_i32_0 : i32, i32, i32
  }
  func.func @transform_2(%arg0: i32, %arg1: i32) -> (i32, i32, i32) {
    %c0_i32 = arith.constant 0 : i32
    %c0_i32_0 = arith.constant 0 : i32
    return %arg0, %arg1, %c0_i32 : i32, i32, i32
  }
}

module attributes {stable_mosaic.version = 14 : i64} {
  func.func @_mm_bias_body(%arg0: i32, %arg1: memref<2048x128xf32, #tpu.memory_space<vmem>>, %arg2: memref<128x256xf32, #tpu.memory_space<vmem>>, %arg3: memref<1x256xf32, #tpu.memory_space<vmem>>, %arg4: memref<2048x256xf32, #tpu.memory_space<vmem>>) attributes {dimension_semantics = [#tpu.dimension_semantics<arbitrary>], iteration_bounds = array<i64: 4>, scalar_prefetch = 0 : i64, scratch_operands = 0 : i64, tpu.core_type = #tpu.core_type<tc>, window_params = [{transform_indices = @transform_0, window_bounds = array<i64: 2048, 128>}, {pipeline_mode = #tpu.pipeline_mode<synchronous>, transform_indices = @transform_1, window_bounds = array<i64: 128, 256>}, {pipeline_mode = #tpu.pipeline_mode<synchronous>, transform_indices = @transform_2, window_bounds = array<i64: 1, 256>}, {transform_indices = @transform_3, window_bounds = array<i64: 2048, 256>}]} {
    %get3A = arith.constant 0 : index
    %get3A_0 = arith.constant 0 : index
    %get3A_1 = vector.load %arg1[%get3A, %get3A_0] : memref<2048x128xf32, #tpu.memory_space<vmem>>, vector<2048x128xf32>
    %get3A_2 = arith.constant 0 : index
    %get3A_3 = arith.constant 0 : index
    %get3A_4 = vector.load %arg2[%get3A_2, %get3A_3] : memref<128x256xf32, #tpu.memory_space<vmem>>, vector<128x256xf32>
    %dot_general3A = arith.constant dense<0.000000e+00> : vector<2048x256xf32>
    %dot_general3A_5 = tpu.matmul %get3A_1, %get3A_4, %dot_general3A {dimension_numbers = #tpu.dot_dimension_numbers<[1], [0], [0], [1], [0, 0, 1, 1], [], []>, transpose_lhs_hint = false} : vector<2048x128xf32>, vector<128x256xf32>, vector<2048x256xf32> -> vector<2048x256xf32>
    %get3A_6 = arith.constant 0 : index
    %get3A_7 = arith.constant 0 : index
    %get3A_8 = vector.load %arg3[%get3A_6, %get3A_7] : memref<1x256xf32, #tpu.memory_space<vmem>>, vector<1x256xf32>
    %get3A_9 = vector.shape_cast %get3A_8 : vector<1x256xf32> to vector<256xf32>
    %broadcast_in_dim3A = vector.shape_cast %get3A_9 : vector<256xf32> to vector<1x256xf32>
    %add3A = vector.broadcast %broadcast_in_dim3A : vector<1x256xf32> to vector<2048x256xf32>
    %add3A_10 = arith.addf %dot_general3A_5, %add3A : vector<2048x256xf32>
    %swap3A = arith.constant 0 : index
    %swap3A_11 = arith.constant 0 : index
    %swap3A_12 = vector.load %arg4[%swap3A, %swap3A_11] : memref<2048x256xf32, #tpu.memory_space<vmem>>, vector<2048x256xf32>
    tpu.vector_store %arg4[%swap3A, %swap3A_11], %add3A_10 {strides = array<i32>} : memref<2048x256xf32, #tpu.memory_space<vmem>>, vector<2048x256xf32>,
    return
  }
  func.func @transform_0(%arg0: i32) -> (i32, i32) {
    %c0_i32 = arith.constant 0 : i32
    %c0_i32_0 = arith.constant 0 : i32
    return %arg0, %c0_i32 : i32, i32
  }
  func.func @transform_1(%arg0: i32) -> (i32, i32) {
    %c0_i32 = arith.constant 0 : i32
    %c0_i32_0 = arith.constant 0 : i32
    %c0_i32_1 = arith.constant 0 : i32
    return %c0_i32, %c0_i32_0 : i32, i32
  }
  func.func @transform_2(%arg0: i32) -> (i32, i32) {
    %c0_i32 = arith.constant 0 : i32
    %c0_i32_0 = arith.constant 0 : i32
    %c0_i32_1 = arith.constant 0 : i32
    return %c0_i32, %c0_i32_0 : i32, i32
  }
  func.func @transform_3(%arg0: i32) -> (i32, i32) {
    %c0_i32 = arith.constant 0 : i32
    %c0_i32_0 = arith.constant 0 : i32
    return %arg0, %c0_i32 : i32, i32
  }
}

module attributes {stable_mosaic.version = 14 : i64} {
  func.func @_s1_body(%arg0: i32, %arg1: memref<8192x128xi32, #tpu.memory_space<vmem>>, %arg2: memref<256x256xf32, #tpu.memory_space<vmem>>, %arg3: memref<8x256xf32, #tpu.memory_space<vmem>>) attributes {dimension_semantics = [#tpu.dimension_semantics<arbitrary>], iteration_bounds = array<i64: 32>, scalar_prefetch = 0 : i64, scratch_operands = 0 : i64, tpu.core_type = #tpu.core_type<tc>, window_params = [{transform_indices = @transform_0, window_bounds = array<i64: 8192, 128>}, {transform_indices = @transform_1, window_bounds = array<i64: 256, 256>}, {pipeline_mode = #tpu.pipeline_mode<synchronous>, transform_indices = @transform_2, window_bounds = array<i64: 8, 256>}]} {
    %get3A = arith.constant 0 : index
    %get3A_0 = arith.constant 0 : index
    %get3A_1 = vector.load %arg1[%get3A, %get3A_0] : memref<8192x128xi32, #tpu.memory_space<vmem>>, vector<8192x128xi32>
    %bitcast_convert_type3A = tpu.bitcast %get3A_1 : vector<8192x128xi32> -> vector<8192x128xi32>
    %and3A = arith.constant 65535 : i32
    %and3A_2 = vector.broadcast %and3A : i32 to vector<8192x128xi32>
    %and3A_3 = arith.andi %bitcast_convert_type3A, %and3A_2 : vector<8192x128xi32>
    %convert_element_type3A = arith.trunci %and3A_3 : vector<8192x128xi32> to vector<8192x128xi16>
    %bitcast_convert_type3A_4 = tpu.bitcast %convert_element_type3A : vector<8192x128xi16> -> vector<8192x128xbf16>
    %shift_right_logical3A = arith.constant 16 : i32
    %shift_right_logical3A_5 = vector.broadcast %shift_right_logical3A : i32 to vector<8192x128xi32>
    %shift_right_logical3A_6 = arith.shrui %bitcast_convert_type3A, %shift_right_logical3A_5 : vector<8192x128xi32>
    %convert_element_type3A_7 = arith.trunci %shift_right_logical3A_6 : vector<8192x128xi32> to vector<8192x128xi16>
    %bitcast_convert_type3A_8 = tpu.bitcast %convert_element_type3A_7 : vector<8192x128xi16> -> vector<8192x128xbf16>
    %concatenate3A = tpu.concatenate %bitcast_convert_type3A_4, %bitcast_convert_type3A_8 in 1 : vector<8192x128xbf16>, vector<8192x128xbf16> -> vector<8192x256xbf16>
    %convert_element_type3A_9 = arith.extf %concatenate3A : vector<8192x256xbf16> to vector<8192x256xf32>
    %reshape3A = vector.shape_cast %convert_element_type3A_9 : vector<8192x256xf32> to vector<256x32x256xf32>
    %get3A_10 = arith.constant 0 : index
    %get3A_11 = arith.constant 0 : index
    %get3A_12 = vector.load %arg2[%get3A_10, %get3A_11] : memref<256x256xf32, #tpu.memory_space<vmem>>, vector<256x256xf32>
    %broadcast_in_dim3A = vector.shape_cast %get3A_12 : vector<256x256xf32> to vector<256x1x256xf32>
    %add3A = vector.broadcast %broadcast_in_dim3A : vector<256x1x256xf32> to vector<256x32x256xf32>
    %add3A_13 = arith.addf %reshape3A, %add3A : vector<256x32x256xf32>
    %reshape3A_14 = vector.shape_cast %add3A_13 : vector<256x32x256xf32> to vector<8192x256xf32>
    %reduce_sum3A = arith.constant dense<0.000000e+00> : vector<256xf32>
    %reduce_sum3A_15 = vector.multi_reduction <add>, %reshape3A_14, %reduce_sum3A [0] : vector<8192x256xf32> to vector<256xf32>
    %mul3A = arith.mulf %add3A_13, %add3A_13 : vector<256x32x256xf32>
    %reshape3A_16 = vector.shape_cast %mul3A : vector<256x32x256xf32> to vector<8192x256xf32>
    %reduce_sum3A_17 = arith.constant dense<0.000000e+00> : vector<256xf32>
    %reduce_sum3A_18 = vector.multi_reduction <add>, %reshape3A_16, %reduce_sum3A_17 [0] : vector<8192x256xf32> to vector<256xf32>
    %broadcast_in_dim3A_19 = vector.shape_cast %reduce_sum3A_15 : vector<256xf32> to vector<1x256xf32>
    %broadcast_in_dim3A_20 = vector.shape_cast %reduce_sum3A_18 : vector<256xf32> to vector<1x256xf32>
    %broadcast_in_dim3A_21 = arith.constant 0.000000e+00 : f32
    %broadcast_in_dim3A_22 = vector.broadcast %broadcast_in_dim3A_21 : f32 to vector<6x256xf32>
    %concatenate3A_23 = tpu.concatenate %broadcast_in_dim3A_19, %broadcast_in_dim3A_20, %broadcast_in_dim3A_22 in 0 : vector<1x256xf32>, vector<1x256xf32>, vector<6x256xf32> -> vector<8x256xf32>
    %eq3A = arith.constant 0 : i32
    %eq3A_24 = arith.cmpi eq, %arg0, %eq3A : i32
    %convert_element_type3A_25 = arith.extui %eq3A_24 : i1 to i32
    %cond3A = arith.constant 0 : i32
    %cond3A_26 = arith.cmpi ne, %convert_element_type3A_25, %cond3A : i32
    scf.if %cond3A_26 {
      %broadcast_in_dim3A_33 = arith.constant 0.000000e+00 : f32
      %broadcast_in_dim3A_34 = vector.broadcast %broadcast_in_dim3A_33 : f32 to vector<8x256xf32>
      %swap3A_35 = arith.constant 0 : index
      %swap3A_36 = arith.constant 0 : index
      %swap3A_37 = vector.load %arg3[%swap3A_35, %swap3A_36] : memref<8x256xf32, #tpu.memory_space<vmem>>, vector<8x256xf32>
      tpu.vector_store %arg3[%swap3A_35, %swap3A_36], %broadcast_in_dim3A_34 {strides = array<i32>} : memref<8x256xf32, #tpu.memory_space<vmem>>, vector<8x256xf32>,
    } else {
    }
    %get3A_27 = arith.constant 0 : index
    %get3A_28 = arith.constant 0 : index
    %get3A_29 = vector.load %arg3[%get3A_27, %get3A_28] : memref<8x256xf32, #tpu.memory_space<vmem>>, vector<8x256xf32>
    %add3A_30 = arith.addf %get3A_29, %concatenate3A_23 : vector<8x256xf32>
    %swap3A = arith.constant 0 : index
    %swap3A_31 = arith.constant 0 : index
    %swap3A_32 = vector.load %arg3[%swap3A, %swap3A_31] : memref<8x256xf32, #tpu.memory_space<vmem>>, vector<8x256xf32>
    tpu.vector_store %arg3[%swap3A, %swap3A_31], %add3A_30 {strides = array<i32>} : memref<8x256xf32, #tpu.memory_space<vmem>>, vector<8x256xf32>,
    return
  }
  func.func @transform_0(%arg0: i32) -> (i32, i32) {
    %c0_i32 = arith.constant 0 : i32
    %c0_i32_0 = arith.constant 0 : i32
    return %arg0, %c0_i32 : i32, i32
  }
  func.func @transform_1(%arg0: i32) -> (i32, i32) {
    %c0_i32 = arith.constant 0 : i32
    %c0_i32_0 = arith.constant 0 : i32
    return %arg0, %c0_i32 : i32, i32
  }
  func.func @transform_2(%arg0: i32) -> (i32, i32) {
    %c0_i32 = arith.constant 0 : i32
    %c0_i32_0 = arith.constant 0 : i32
    %c0_i32_1 = arith.constant 0 : i32
    return %c0_i32, %c0_i32_0 : i32, i32
  }
}

module attributes {stable_mosaic.version = 14 : i64} {
  func.func @_mlp_body(%arg0: i32, %arg1: memref<8192x128xi32, #tpu.memory_space<vmem>>, %arg2: memref<256x256xf32, #tpu.memory_space<vmem>>, %arg3: memref<8x256xf32, #tpu.memory_space<vmem>>, %arg4: memref<256x256xf32, #tpu.memory_space<vmem>>, %arg5: memref<1x256xf32, #tpu.memory_space<vmem>>, %arg6: memref<1x256xf32, #tpu.memory_space<vmem>>, %arg7: memref<1x256xf32, #tpu.memory_space<vmem>>, %arg8: memref<256x256xf32, #tpu.memory_space<vmem>>, %arg9: memref<256x256xf32, #tpu.memory_space<vmem>>, %arg10: memref<8x256xf32, #tpu.memory_space<vmem>>) attributes {dimension_semantics = [#tpu.dimension_semantics<arbitrary>], iteration_bounds = array<i64: 32>, scalar_prefetch = 0 : i64, scratch_operands = 0 : i64, tpu.core_type = #tpu.core_type<tc>, window_params = [{transform_indices = @transform_0, window_bounds = array<i64: 8192, 128>}, {transform_indices = @transform_1, window_bounds = array<i64: 256, 256>}, {pipeline_mode = #tpu.pipeline_mode<synchronous>, transform_indices = @transform_2, window_bounds = array<i64: 8, 256>}, {pipeline_mode = #tpu.pipeline_mode<synchronous>, transform_indices = @transform_3, window_bounds = array<i64: 256, 256>}, {pipeline_mode = #tpu.pipeline_mode<synchronous>, transform_indices = @transform_4, window_bounds = array<i64: 1, 256>}, {pipeline_mode = #tpu.pipeline_mode<synchronous>, transform_indices = @transform_5, window_bounds = array<i64: 1, 256>}, {pipeline_mode = #tpu.pipeline_mode<synchronous>, transform_indices = @transform_6, window_bounds = array<i64: 1, 256>}, {transform_indices = @transform_7, window_bounds = array<i64: 256, 256>}, {transform_indices = @transform_8, window_bounds = array<i64: 256, 256>}, {pipeline_mode = #tpu.pipeline_mode<synchronous>, transform_indices = @transform_9, window_bounds = array<i64: 8, 256>}]} {
    %get3A = arith.constant 0 : index
    %get3A_0 = arith.constant 0 : index
    %get3A_1 = vector.load %arg3[%get3A, %get3A_0] : memref<8x256xf32, #tpu.memory_space<vmem>>, vector<1x256xf32>
    %get3A_2 = vector.shape_cast %get3A_1 : vector<1x256xf32> to vector<256xf32>
    %div3A = arith.constant 2.621440e+05 : f32
    %div3A_3 = vector.broadcast %div3A : f32 to vector<256xf32>
    %div3A_4 = arith.divf %get3A_2, %div3A_3 : vector<256xf32>
    %get3A_5 = arith.constant 1 : index
    %get3A_6 = arith.constant 0 : index
    %get3A_7 = vector.load %arg3[%get3A_5, %get3A_6] : memref<8x256xf32, #tpu.memory_space<vmem>>, vector<1x256xf32>
    %get3A_8 = vector.shape_cast %get3A_7 : vector<1x256xf32> to vector<256xf32>
    %div3A_9 = arith.constant 2.621440e+05 : f32
    %div3A_10 = vector.broadcast %div3A_9 : f32 to vector<256xf32>
    %div3A_11 = arith.divf %get3A_8, %div3A_10 : vector<256xf32>
    %mul3A = arith.mulf %div3A_4, %div3A_4 : vector<256xf32>
    %sub3A = arith.subf %div3A_11, %mul3A : vector<256xf32>
    %get3A_12 = arith.constant 0 : index
    %get3A_13 = arith.constant 0 : index
    %get3A_14 = vector.load %arg6[%get3A_12, %get3A_13] : memref<1x256xf32, #tpu.memory_space<vmem>>, vector<1x256xf32>
    %get3A_15 = vector.shape_cast %get3A_14 : vector<1x256xf32> to vector<256xf32>
    %add3A = arith.constant 9.99999974E-6 : f32
    %add3A_16 = vector.broadcast %add3A : f32 to vector<256xf32>
    %add3A_17 = arith.addf %sub3A, %add3A_16 : vector<256xf32>
    %rsqrt3A = math.rsqrt %add3A_17 : vector<256xf32>
    %mul3A_18 = arith.mulf %get3A_15, %rsqrt3A : vector<256xf32>
    %get3A_19 = arith.constant 0 : index
    %get3A_20 = arith.constant 0 : index
    %get3A_21 = vector.load %arg7[%get3A_19, %get3A_20] : memref<1x256xf32, #tpu.memory_space<vmem>>, vector<1x256xf32>
    %get3A_22 = vector.shape_cast %get3A_21 : vector<1x256xf32> to vector<256xf32>
    %mul3A_23 = arith.mulf %div3A_4, %mul3A_18 : vector<256xf32>
    %sub3A_24 = arith.subf %get3A_22, %mul3A_23 : vector<256xf32>
    %get3A_25 = arith.constant 0 : index
    %get3A_26 = arith.constant 0 : index
    %get3A_27 = vector.load %arg1[%get3A_25, %get3A_26] : memref<8192x128xi32, #tpu.memory_space<vmem>>, vector<8192x128xi32>
    %bitcast_convert_type3A = tpu.bitcast %get3A_27 : vector<8192x128xi32> -> vector<8192x128xi32>
    %and3A = arith.constant 65535 : i32
    %and3A_28 = vector.broadcast %and3A : i32 to vector<8192x128xi32>
    %and3A_29 = arith.andi %bitcast_convert_type3A, %and3A_28 : vector<8192x128xi32>
    %convert_element_type3A = arith.trunci %and3A_29 : vector<8192x128xi32> to vector<8192x128xi16>
    %bitcast_convert_type3A_30 = tpu.bitcast %convert_element_type3A : vector<8192x128xi16> -> vector<8192x128xbf16>
    %shift_right_logical3A = arith.constant 16 : i32
    %shift_right_logical3A_31 = vector.broadcast %shift_right_logical3A : i32 to vector<8192x128xi32>
    %shift_right_logical3A_32 = arith.shrui %bitcast_convert_type3A, %shift_right_logical3A_31 : vector<8192x128xi32>
    %convert_element_type3A_33 = arith.trunci %shift_right_logical3A_32 : vector<8192x128xi32> to vector<8192x128xi16>
    %bitcast_convert_type3A_34 = tpu.bitcast %convert_element_type3A_33 : vector<8192x128xi16> -> vector<8192x128xbf16>
    %concatenate3A = tpu.concatenate %bitcast_convert_type3A_30, %bitcast_convert_type3A_34 in 1 : vector<8192x128xbf16>, vector<8192x128xbf16> -> vector<8192x256xbf16>
    %convert_element_type3A_35 = arith.extf %concatenate3A : vector<8192x256xbf16> to vector<8192x256xf32>
    %reshape3A = vector.shape_cast %convert_element_type3A_35 : vector<8192x256xf32> to vector<256x32x256xf32>
    %get3A_36 = arith.constant 0 : index
    %get3A_37 = arith.constant 0 : index
    %get3A_38 = vector.load %arg2[%get3A_36, %get3A_37] : memref<256x256xf32, #tpu.memory_space<vmem>>, vector<256x256xf32>
    %broadcast_in_dim3A = vector.shape_cast %get3A_38 : vector<256x256xf32> to vector<256x1x256xf32>
    %add3A_39 = vector.broadcast %broadcast_in_dim3A : vector<256x1x256xf32> to vector<256x32x256xf32>
    %add3A_40 = arith.addf %reshape3A, %add3A_39 : vector<256x32x256xf32>
    %broadcast_in_dim3A_41 = vector.shape_cast %mul3A_18 : vector<256xf32> to vector<1x1x256xf32>
    %mul3A_42 = vector.broadcast %broadcast_in_dim3A_41 : vector<1x1x256xf32> to vector<256x32x256xf32>
    %mul3A_43 = arith.mulf %add3A_40, %mul3A_42 : vector<256x32x256xf32>
    %broadcast_in_dim3A_44 = vector.shape_cast %sub3A_24 : vector<256xf32> to vector<1x1x256xf32>
    %add3A_45 = vector.broadcast %broadcast_in_dim3A_44 : vector<1x1x256xf32> to vector<256x32x256xf32>
    %add3A_46 = arith.addf %mul3A_43, %add3A_45 : vector<256x32x256xf32>
    %max3A = arith.constant 0.000000e+00 : f32
    %max3A_47 = vector.broadcast %max3A : f32 to vector<256x32x256xf32>
    %max3A_48 = arith.maximumf %add3A_46, %max3A_47 : vector<256x32x256xf32>
    %reshape3A_49 = vector.shape_cast %max3A_48 : vector<256x32x256xf32> to vector<8192x256xf32>
    %get3A_50 = arith.constant 0 : index
    %get3A_51 = arith.constant 0 : index
    %get3A_52 = vector.load %arg4[%get3A_50, %get3A_51] : memref<256x256xf32, #tpu.memory_space<vmem>>, vector<256x256xf32>
    %dot_general3A = arith.constant dense<0.000000e+00> : vector<8192x256xf32>
    %dot_general3A_53 = tpu.matmul %reshape3A_49, %get3A_52, %dot_general3A {dimension_numbers = #tpu.dot_dimension_numbers<[1], [0], [0], [1], [0, 0, 1, 1], [], []>, transpose_lhs_hint = false} : vector<8192x256xf32>, vector<256x256xf32>, vector<8192x256xf32> -> vector<8192x256xf32>
    %get3A_54 = arith.constant 0 : index
    %get3A_55 = arith.constant 0 : index
    %get3A_56 = vector.load %arg5[%get3A_54, %get3A_55] : memref<1x256xf32, #tpu.memory_space<vmem>>, vector<1x256xf32>
    %get3A_57 = vector.shape_cast %get3A_56 : vector<1x256xf32> to vector<256xf32>
    %broadcast_in_dim3A_58 = vector.shape_cast %get3A_57 : vector<256xf32> to vector<1x256xf32>
    %add3A_59 = vector.broadcast %broadcast_in_dim3A_58 : vector<1x256xf32> to vector<8192x256xf32>
    %add3A_60 = arith.addf %dot_general3A_53, %add3A_59 : vector<8192x256xf32>
    %reduce_sum3A = arith.constant dense<0.000000e+00> : vector<256xf32>
    %reduce_sum3A_61 = vector.multi_reduction <add>, %add3A_60, %reduce_sum3A [0] : vector<8192x256xf32> to vector<256xf32>
    %mul3A_62 = arith.mulf %add3A_60, %add3A_60 : vector<8192x256xf32>
    %reduce_sum3A_63 = arith.constant dense<0.000000e+00> : vector<256xf32>
    %reduce_sum3A_64 = vector.multi_reduction <add>, %mul3A_62, %reduce_sum3A_63 [0] : vector<8192x256xf32> to vector<256xf32>
    %broadcast_in_dim3A_65 = vector.shape_cast %reduce_sum3A_61 : vector<256xf32> to vector<1x256xf32>
    %broadcast_in_dim3A_66 = vector.shape_cast %reduce_sum3A_64 : vector<256xf32> to vector<1x256xf32>
    %broadcast_in_dim3A_67 = arith.constant 0.000000e+00 : f32
    %broadcast_in_dim3A_68 = vector.broadcast %broadcast_in_dim3A_67 : f32 to vector<6x256xf32>
    %concatenate3A_69 = tpu.concatenate %broadcast_in_dim3A_65, %broadcast_in_dim3A_66, %broadcast_in_dim3A_68 in 0 : vector<1x256xf32>, vector<1x256xf32>, vector<6x256xf32> -> vector<8x256xf32>
    %reshape3A_70 = vector.shape_cast %add3A_60 : vector<8192x256xf32> to vector<256x32x256xf32>
    %reduce_max3A = arith.constant dense<0xFF800000> : vector<256x256xf32>
    %reduce_max3A_71 = vector.multi_reduction <maximumf>, %reshape3A_70, %reduce_max3A [1] : vector<256x32x256xf32> to vector<256x256xf32>
    %swap3A = arith.constant 0 : index
    %swap3A_72 = arith.constant 0 : index
    %swap3A_73 = vector.load %arg8[%swap3A, %swap3A_72] : memref<256x256xf32, #tpu.memory_space<vmem>>, vector<256x256xf32>
    tpu.vector_store %arg8[%swap3A, %swap3A_72], %reduce_max3A_71 {strides = array<i32>} : memref<256x256xf32, #tpu.memory_space<vmem>>, vector<256x256xf32>,
    %reduce_min3A = arith.constant dense<0x7F800000> : vector<256x256xf32>
    %reduce_min3A_74 = vector.multi_reduction <minimumf>, %reshape3A_70, %reduce_min3A [1] : vector<256x32x256xf32> to vector<256x256xf32>
    %swap3A_75 = arith.constant 0 : index
    %swap3A_76 = arith.constant 0 : index
    %swap3A_77 = vector.load %arg9[%swap3A_75, %swap3A_76] : memref<256x256xf32, #tpu.memory_space<vmem>>, vector<256x256xf32>
    tpu.vector_store %arg9[%swap3A_75, %swap3A_76], %reduce_min3A_74 {strides = array<i32>} : memref<256x256xf32, #tpu.memory_space<vmem>>, vector<256x256xf32>,
    %eq3A = arith.constant 0 : i32
    %eq3A_78 = arith.cmpi eq, %arg0, %eq3A : i32
    %convert_element_type3A_79 = arith.extui %eq3A_78 : i1 to i32
    %cond3A = arith.constant 0 : i32
    %cond3A_80 = arith.cmpi ne, %convert_element_type3A_79, %cond3A : i32
    scf.if %cond3A_80 {
      %broadcast_in_dim3A_88 = arith.constant 0.000000e+00 : f32
      %broadcast_in_dim3A_89 = vector.broadcast %broadcast_in_dim3A_88 : f32 to vector<8x256xf32>
      %swap3A_90 = arith.constant 0 : index
      %swap3A_91 = arith.constant 0 : index
      %swap3A_92 = vector.load %arg10[%swap3A_90, %swap3A_91] : memref<8x256xf32, #tpu.memory_space<vmem>>, vector<8x256xf32>
      tpu.vector_store %arg10[%swap3A_90, %swap3A_91], %broadcast_in_dim3A_89 {strides = array<i32>} : memref<8x256xf32, #tpu.memory_space<vmem>>, vector<8x256xf32>,
    } else {
    }
    %get3A_81 = arith.constant 0 : index
    %get3A_82 = arith.constant 0 : index
    %get3A_83 = vector.load %arg10[%get3A_81, %get3A_82] : memref<8x256xf32, #tpu.memory_space<vmem>>, vector<8x256xf32>
    %add3A_84 = arith.addf %get3A_83, %concatenate3A_69 : vector<8x256xf32>
    %swap3A_85 = arith.constant 0 : index
    %swap3A_86 = arith.constant 0 : index
    %swap3A_87 = vector.load %arg10[%swap3A_85, %swap3A_86] : memref<8x256xf32, #tpu.memory_space<vmem>>, vector<8x256xf32>
    tpu.vector_store %arg10[%swap3A_85, %swap3A_86], %add3A_84 {strides = array<i32>} : memref<8x256xf32, #tpu.memory_space<vmem>>, vector<8x256xf32>,
    return
  }
  func.func @transform_0(%arg0: i32) -> (i32, i32) {
    %c0_i32 = arith.constant 0 : i32
    %c0_i32_0 = arith.constant 0 : i32
    return %arg0, %c0_i32 : i32, i32
  }
  func.func @transform_1(%arg0: i32) -> (i32, i32) {
    %c0_i32 = arith.constant 0 : i32
    %c0_i32_0 = arith.constant 0 : i32
    return %arg0, %c0_i32 : i32, i32
  }
  func.func @transform_2(%arg0: i32) -> (i32, i32) {
    %c0_i32 = arith.constant 0 : i32
    %c0_i32_0 = arith.constant 0 : i32
    %c0_i32_1 = arith.constant 0 : i32
    return %c0_i32, %c0_i32_0 : i32, i32
  }
  func.func @transform_3(%arg0: i32) -> (i32, i32) {
    %c0_i32 = arith.constant 0 : i32
    %c0_i32_0 = arith.constant 0 : i32
    %c0_i32_1 = arith.constant 0 : i32
    return %c0_i32, %c0_i32_0 : i32, i32
  }
  func.func @transform_4(%arg0: i32) -> (i32, i32) {
    %c0_i32 = arith.constant 0 : i32
    %c0_i32_0 = arith.constant 0 : i32
    %c0_i32_1 = arith.constant 0 : i32
    return %c0_i32, %c0_i32_0 : i32, i32
  }
  func.func @transform_5(%arg0: i32) -> (i32, i32) {
    %c0_i32 = arith.constant 0 : i32
    %c0_i32_0 = arith.constant 0 : i32
    %c0_i32_1 = arith.constant 0 : i32
    return %c0_i32, %c0_i32_0 : i32, i32
  }
  func.func @transform_6(%arg0: i32) -> (i32, i32) {
    %c0_i32 = arith.constant 0 : i32
    %c0_i32_0 = arith.constant 0 : i32
    %c0_i32_1 = arith.constant 0 : i32
    return %c0_i32, %c0_i32_0 : i32, i32
  }
  func.func @transform_7(%arg0: i32) -> (i32, i32) {
    %c0_i32 = arith.constant 0 : i32
    %c0_i32_0 = arith.constant 0 : i32
    return %arg0, %c0_i32 : i32, i32
  }
  func.func @transform_8(%arg0: i32) -> (i32, i32) {
    %c0_i32 = arith.constant 0 : i32
    %c0_i32_0 = arith.constant 0 : i32
    return %arg0, %c0_i32 : i32, i32
  }
  func.func @transform_9(%arg0: i32) -> (i32, i32) {
    %c0_i32 = arith.constant 0 : i32
    %c0_i32_0 = arith.constant 0 : i32
    %c0_i32_1 = arith.constant 0 : i32
    return %c0_i32, %c0_i32_0 : i32, i32
  }
}

module attributes {stable_mosaic.version = 14 : i64} {
  func.func @_fin_body(%arg0: i32, %arg1: memref<1024x256xf32, #tpu.memory_space<vmem>>, %arg2: memref<1024x256xf32, #tpu.memory_space<vmem>>, %arg3: memref<8x256xf32, #tpu.memory_space<vmem>>, %arg4: memref<1x256xf32, #tpu.memory_space<vmem>>, %arg5: memref<1x256xf32, #tpu.memory_space<vmem>>, %arg6: memref<1024x256xf32, #tpu.memory_space<vmem>>) attributes {dimension_semantics = [#tpu.dimension_semantics<arbitrary>], iteration_bounds = array<i64: 8>, scalar_prefetch = 0 : i64, scratch_operands = 0 : i64, tpu.core_type = #tpu.core_type<tc>, window_params = [{transform_indices = @transform_0, window_bounds = array<i64: 1024, 256>}, {transform_indices = @transform_1, window_bounds = array<i64: 1024, 256>}, {pipeline_mode = #tpu.pipeline_mode<synchronous>, transform_indices = @transform_2, window_bounds = array<i64: 8, 256>}, {pipeline_mode = #tpu.pipeline_mode<synchronous>, transform_indices = @transform_3, window_bounds = array<i64: 1, 256>}, {pipeline_mode = #tpu.pipeline_mode<synchronous>, transform_indices = @transform_4, window_bounds = array<i64: 1, 256>}, {transform_indices = @transform_5, window_bounds = array<i64: 1024, 256>}]} {
    %get3A = arith.constant 0 : index
    %get3A_0 = arith.constant 0 : index
    %get3A_1 = vector.load %arg3[%get3A, %get3A_0] : memref<8x256xf32, #tpu.memory_space<vmem>>, vector<1x256xf32>
    %get3A_2 = vector.shape_cast %get3A_1 : vector<1x256xf32> to vector<256xf32>
    %div3A = arith.constant 2.621440e+05 : f32
    %div3A_3 = vector.broadcast %div3A : f32 to vector<256xf32>
    %div3A_4 = arith.divf %get3A_2, %div3A_3 : vector<256xf32>
    %get3A_5 = arith.constant 1 : index
    %get3A_6 = arith.constant 0 : index
    %get3A_7 = vector.load %arg3[%get3A_5, %get3A_6] : memref<8x256xf32, #tpu.memory_space<vmem>>, vector<1x256xf32>
    %get3A_8 = vector.shape_cast %get3A_7 : vector<1x256xf32> to vector<256xf32>
    %div3A_9 = arith.constant 2.621440e+05 : f32
    %div3A_10 = vector.broadcast %div3A_9 : f32 to vector<256xf32>
    %div3A_11 = arith.divf %get3A_8, %div3A_10 : vector<256xf32>
    %mul3A = arith.mulf %div3A_4, %div3A_4 : vector<256xf32>
    %sub3A = arith.subf %div3A_11, %mul3A : vector<256xf32>
    %get3A_12 = arith.constant 0 : index
    %get3A_13 = arith.constant 0 : index
    %get3A_14 = vector.load %arg4[%get3A_12, %get3A_13] : memref<1x256xf32, #tpu.memory_space<vmem>>, vector<1x256xf32>
    %get3A_15 = vector.shape_cast %get3A_14 : vector<1x256xf32> to vector<256xf32>
    %add3A = arith.constant 9.99999974E-6 : f32
    %add3A_16 = vector.broadcast %add3A : f32 to vector<256xf32>
    %add3A_17 = arith.addf %sub3A, %add3A_16 : vector<256xf32>
    %rsqrt3A = math.rsqrt %add3A_17 : vector<256xf32>
    %mul3A_18 = arith.mulf %get3A_15, %rsqrt3A : vector<256xf32>
    %get3A_19 = arith.constant 0 : index
    %get3A_20 = arith.constant 0 : index
    %get3A_21 = vector.load %arg5[%get3A_19, %get3A_20] : memref<1x256xf32, #tpu.memory_space<vmem>>, vector<1x256xf32>
    %get3A_22 = vector.shape_cast %get3A_21 : vector<1x256xf32> to vector<256xf32>
    %mul3A_23 = arith.mulf %div3A_4, %mul3A_18 : vector<256xf32>
    %sub3A_24 = arith.subf %get3A_22, %mul3A_23 : vector<256xf32>
    %ge3A = arith.constant 0.000000e+00 : f32
    %ge3A_25 = vector.broadcast %ge3A : f32 to vector<256xf32>
    %ge3A_26 = arith.cmpf oge, %mul3A_18, %ge3A_25 : vector<256xf32>
    %get3A_27 = arith.constant 0 : index
    %get3A_28 = arith.constant 0 : index
    %get3A_29 = vector.load %arg1[%get3A_27, %get3A_28] : memref<1024x256xf32, #tpu.memory_space<vmem>>, vector<1024x256xf32>
    %get3A_30 = arith.constant 0 : index
    %get3A_31 = arith.constant 0 : index
    %get3A_32 = vector.load %arg2[%get3A_30, %get3A_31] : memref<1024x256xf32, #tpu.memory_space<vmem>>, vector<1024x256xf32>
    %broadcast_in_dim3A = vector.shape_cast %ge3A_26 : vector<256xi1> to vector<1x256xi1>
    %broadcast_in_dim3A_33 = vector.broadcast %broadcast_in_dim3A : vector<1x256xi1> to vector<1024x256xi1>
    %select_n3A = arith.select %broadcast_in_dim3A_33, %get3A_29, %get3A_32 : vector<1024x256xi1>, vector<1024x256xf32>
    %broadcast_in_dim3A_34 = vector.shape_cast %mul3A_18 : vector<256xf32> to vector<1x256xf32>
    %mul3A_35 = vector.broadcast %broadcast_in_dim3A_34 : vector<1x256xf32> to vector<1024x256xf32>
    %mul3A_36 = arith.mulf %select_n3A, %mul3A_35 : vector<1024x256xf32>
    %broadcast_in_dim3A_37 = vector.shape_cast %sub3A_24 : vector<256xf32> to vector<1x256xf32>
    %add3A_38 = vector.broadcast %broadcast_in_dim3A_37 : vector<1x256xf32> to vector<1024x256xf32>
    %add3A_39 = arith.addf %mul3A_36, %add3A_38 : vector<1024x256xf32>
    %max3A = arith.constant 0.000000e+00 : f32
    %max3A_40 = vector.broadcast %max3A : f32 to vector<1024x256xf32>
    %max3A_41 = arith.maximumf %add3A_39, %max3A_40 : vector<1024x256xf32>
    %swap3A = arith.constant 0 : index
    %swap3A_42 = arith.constant 0 : index
    %swap3A_43 = vector.load %arg6[%swap3A, %swap3A_42] : memref<1024x256xf32, #tpu.memory_space<vmem>>, vector<1024x256xf32>
    tpu.vector_store %arg6[%swap3A, %swap3A_42], %max3A_41 {strides = array<i32>} : memref<1024x256xf32, #tpu.memory_space<vmem>>, vector<1024x256xf32>,
    return
  }
  func.func @transform_0(%arg0: i32) -> (i32, i32) {
    %c0_i32 = arith.constant 0 : i32
    %c0_i32_0 = arith.constant 0 : i32
    return %arg0, %c0_i32 : i32, i32
  }
  func.func @transform_1(%arg0: i32) -> (i32, i32) {
    %c0_i32 = arith.constant 0 : i32
    %c0_i32_0 = arith.constant 0 : i32
    return %arg0, %c0_i32 : i32, i32
  }
  func.func @transform_2(%arg0: i32) -> (i32, i32) {
    %c0_i32 = arith.constant 0 : i32
    %c0_i32_0 = arith.constant 0 : i32
    %c0_i32_1 = arith.constant 0 : i32
    return %c0_i32, %c0_i32_0 : i32, i32
  }
  func.func @transform_3(%arg0: i32) -> (i32, i32) {
    %c0_i32 = arith.constant 0 : i32
    %c0_i32_0 = arith.constant 0 : i32
    %c0_i32_1 = arith.constant 0 : i32
    return %c0_i32, %c0_i32_0 : i32, i32
  }
  func.func @transform_4(%arg0: i32) -> (i32, i32) {
    %c0_i32 = arith.constant 0 : i32
    %c0_i32_0 = arith.constant 0 : i32
    %c0_i32_1 = arith.constant 0 : i32
    return %c0_i32, %c0_i32_0 : i32, i32
  }
  func.func @transform_5(%arg0: i32) -> (i32, i32) {
    %c0_i32 = arith.constant 0 : i32
    %c0_i32_0 = arith.constant 0 : i32
    return %arg0, %c0_i32 : i32, i32
  }
}

</mosaic_0001>

<sc_bundles>
// kernel: kernel.10.cloned.1.call-start
scs
__scs_entry_jumppad:
0x0: {  	(pc) =	sbr.rel $0x88, $3  }
0x1: {  	(tag) =	ssettag $0x0;
	lr =	simm.s32 $0x1  }
0x2: {  	[smem:$0x3F97] =	sst lr;
	_ =	strace $0xD0000000  }
0x3: {  	_ = 	snop  }
0x4: {  	_ = 	snop  }
0x5: {  	_ = 	snop  }
0x6: {  	_ = 	snop  }
0x7: {  	_ = 	snop  }
__scs_overlays_trampoline_lowered:
0x8: {  	[smem:$0x3FA6] =	sst s0  }
0x9: {  	[smem:$0x3FA7] =	sst s1  }
0xa: {  	[smem:$0x3FA8] =	sst s2  }
0xb: {  	[smem:$0x3FA9] =	sst s3  }
0xc: {  	[smem:$0x3FAA] =	sst s4  }
0xd: {  	[smem:$0x3FAB] =	sst s5  }
0xe: {  	[smem:$0x3FAC] =	sst s6  }
0xf: {  	[smem:$0x3FAD] =	sst s7  }
0x10: {  	[smem:$0x3FAE] =	sst s8  }
0x11: {  	[smem:$0x3FAF] =	sst s9;
	s0 =	simm.s32 @!p0 $0x0  }
0x12: {  	s1 =	sld [smem:$0x3F95];
	s0 =	simm.s32 @p0 $0x1  }
0x13: {  	[smem:$0x3FB0] =	sst s0;
	s0 =	simm.s32 @!p1 $0x0  }
0x14: {  	s2 =	sld [smem:$0x3F94];
	s0 =	simm.s32 @p1 $0x1  }
0x15: {  	[smem:$0x3FB1] =	sst s0;
	s0 =	simm.s32 @!p2 $0x0  }
0x16: {  	s3 =	sld [smem:$0x3FDB];
	s0 =	simm.s32 @p2 $0x1  }
0x17: {  	s4 =	simm.s32 $0x1BF5;
	[smem:$0x3FB3] =	sst s0  }
0x18: {  	s0 =	sld [smem:$0x3F96];
	_ =	swait.ge [sflag:s4], $0x0  }
0x19: {  	s7 =	sld [smem:$0x3F97]  }
0x1a: {  	s8 =	sadd.s32 $0xFFFFE003, lr  }
0x1b: {  	s9 =	sadd.s32 $0xFFFFFEF7, lr;
	s5 =	simm.s32 $0xFFFFFFFF;
	p2 =	slt.u32 s8, $0xFFFFF086  }
0x1c: {  	p1 =	slt.u32 s9, $0xF7A;
	s5 =	simm.s32 @!p2 $0x0  }
0x1d: {  	s5 =	simm.s32 @p1 $0x1;
	p0 =	seq.s32 s7, s2  }
0x1e: {  	s7 =	smul.u32 @!p0 $0xF7A, s2;
	p2 =	seq.s32 @!p0 s5, $0x0  }
0x1f: {  	s9 =	smul.u32 $0xF7A, s1;
	s8 =	simm.s32 @!p0 $0x1BF5;
	p2 =	por !p2, p0  }
0x20: {  	[sflag:s8] =	ssyncset.s32 @!p0 $0xFFFFF086;
	s6 =	sadd.s32 @!p0 s3, s7;
	s7 =	simm.s32 @!p0 $0x108  }
0x21: {  	s3 =	sadd.s32 s3, s9;
	s6 =	sadd.s32 @!p0 $0x88, s6;
	s7 =	simm.s32 @p2 $0x1082  }
0x22: {  	[simem:s7], [sflag:s8] =	dma.local @!p0 [hbm:s6], $0xF7A  }
0x23: {  	s9 =	sor.u32 $0xD0000000, s2;
	s6 =	simm.s32 $0x108;
	_ =	swait.ge @!p0 [sflag:s8], $0x0  }
0x24: {  	s3 =	sadd.s32 $0x88, s3;
	s6 =	simm.s32 @!p1 $0x1082;
	[sflag:s4] =	ssyncset.s32 $0xFFFFF086  }
0x25: {  	[simem:s6], [sflag:s4] =	dma.local [hbm:s3], $0xF7A  }
0x26: {  	[smem:$0x3F97] =	sst s1;
	(tag) =	ssettag s2;
	_ =	strace s9  }
0x27: {  	s1 =	sld [smem:$0x3FA7]  }
0x28: {  	s2 =	sld [smem:$0x3FA8]  }
0x29: {  	s4 =	sld [smem:$0x3FAA]  }
0x2a: {  	p0 =	seq.s32 s5, $0x0;
	s5 =	sld [smem:$0x3FAB]  }
0x2b: {  	s6 =	sld [smem:$0x3FAC]  }
0x2c: {  	s7 =	sld [smem:$0x3FAD]  }
0x2d: {  	s3 =	simm.s32 $0x108;
	s8 =	sld [smem:$0x3FAE]  }
0x2e: {  	s3 =	simm.s32 @!p0 $0x1082;
	s9 =	sld [smem:$0x3FAF]  }
0x2f: {  	lr =	sadd.s32 s0, s3;
	s0 =	sld [smem:$0x3FA6]  }
0x30: {  	s3 =	sld [smem:$0x3FA9]  }
0x31: {  	[smem:$0x3FB2] =	sst s10  }
0x32: {  	s10 =	sld [smem:$0x3FB0];
	_ =	sdelay $0x3  }
0x33: {  	p0 =	seq.s32 s10, $0x1;
	s10 =	sld [smem:$0x3FB2];
	_ =	sdelay $0x3  }
0x34: {  	[smem:$0x3FB2] =	sst s10  }
0x35: {  	s10 =	sld [smem:$0x3FB1];
	_ =	sdelay $0x3  }
0x36: {  	p1 =	seq.s32 s10, $0x1;
	s10 =	sld [smem:$0x3FB2];
	_ =	sdelay $0x3  }
0x37: {  	[smem:$0x3FB2] =	sst s10  }
0x38: {  	s10 =	sld [smem:$0x3FB3]  }
0x39: {  	_ = 	snop;
	(pc) =	sbr.ind lr, $3  }
0x3a: {  	_ = 	snop  }
0x3b: {  	_ = 	snop  }
0x3c: {  	p2 =	seq.s32 s10, $0x1;
	s10 =	sld [smem:$0x3FB2]  }
0x3d: {  	_ =	shalt  }
0x3e: {  	_ =	shalt  }
0x3f: {  	_ =	shalt  }
0x40: {  	_ =	shalt  }
0x41: {  	_ =	shalt  }
0x42: {  	_ =	shalt  }
0x43: {  	_ =	shalt  }
0x44: {  	_ =	shalt  }
0x45: {  	_ =	shalt  }
0x46: {  	_ =	shalt  }
0x47: {  	_ =	shalt  }
0x48: {  	_ =	shalt  }
0x49: {  	_ =	shalt  }
0x4a: {  	_ =	shalt  }
0x4b: {  	_ =	shalt  }
0x4c: {  	_ =	shalt  }
0x4d: {  	_ =	shalt  }
0x4e: {  	_ =	shalt  }
0x4f: {  	_ =	shalt  }
0x50: {  	_ =	shalt  }
0x51: {  	_ =	shalt  }
0x52: {  	_ =	shalt  }
0x53: {  	_ =	shalt  }
0x54: {  	_ =	shalt  }
0x55: {  	_ =	shalt  }
0x56: {  	_ =	shalt  }
0x57: {  	_ =	shalt  }
0x58: {  	_ =	shalt  }
0x59: {  	_ =	shalt  }
0x5a: {  	_ =	shalt  }
0x5b: {  	_ =	shalt  }
0x5c: {  	_ =	shalt  }
0x5d: {  	_ =	shalt  }
0x5e: {  	_ =	shalt  }
0x5f: {  	_ =	shalt  }
0x60: {  	_ =	shalt  }
0x61: {  	_ =	shalt  }
0x62: {  	_ =	shalt  }
0x63: {  	_ =	shalt  }
0x64: {  	_ =	shalt  }
0x65: {  	_ =	shalt  }
0x66: {  	_ =	shalt  }
0x67: {  	_ =	shalt  }
0x68: {  	_ =	shalt  }
0x69: {  	_ =	shalt  }
0x6a: {  	_ =	shalt  }
0x6b: {  	_ =	shalt  }
0x6c: {  	_ =	shalt  }
0x6d: {  	_ =	shalt  }
0x6e: {  	_ =	shalt  }
0x6f: {  	_ =	shalt  }
0x70: {  	_ =	shalt  }
0x71: {  	_ =	shalt  }
0x72: {  	_ =	shalt  }
0x73: {  	_ =	shalt  }
0x74: {  	_ =	shalt  }
0x75: {  	_ =	shalt  }
0x76: {  	_ =	shalt  }
0x77: {  	_ =	shalt  }
0x78: {  	_ =	shalt  }
0x79: {  	_ =	shalt  }
0x7a: {  	_ =	shalt  }
0x7b: {  	_ =	shalt  }
0x7c: {  	_ =	shalt  }
0x7d: {  	_ =	shalt  }
0x7e: {  	_ =	shalt  }
0x7f: {  	_ =	shalt  }
0x80: {  	_ =	shalt  }
0x81: {  	_ =	shalt  }
0x82: {  	_ =	shalt  }
0x83: {  	_ =	shalt  }
0x84: {  	_ =	shalt  }
0x85: {  	_ =	shalt  }
0x86: {  	_ =	shalt  }
0x87: {  	_ =	shalt  }
.Lfunc_end0:
.L_simem_size_0:
called_computation_lowered:
.L_overlay_start_0:
0x88: {  	s2 =	sld [smem:$0x3FD9]  }
0x89: {  	s3 =	sld [smem:$0x3FFE];
	_ =	sdelay $0x1  }
0x8a: {  	s1 =	srdreg.scid  }
0x8b: {  	s0 =	sand.u32 $0x1, s1  }
0x8c: {  	s14 =	sshll.u32 s0, $0xA;
	s2 =	sadd.s32 s3, s2  }
0x8d: {  	s2 =	sadd.s32 s2, s14  }
0x8e: {  	[smem:$0x3FBE] =	sst s2  }
0x8f: {  	_ = 	snop  }
0x90: {  	s2 =	sld [smem:$0x3FD0];
	_ =	sdelay $0x2  }
0x91: {  	s4 =	simm.s32 $0xA;
	s5 =	simm.s32 $0x10;
	s15 =	sld [smem:$0x3FC9]  }
0x92: {  	[smem:s5], [sflag:s4] =	dma.local [hbm:s2], $0x1  }
0x93: {  	_ =	swait.eq [sflag:s4], $0x1  }
0x94: {  	[sflag:s4] =	ssyncset.done $0x0  }
0x95: {  	s16 =	sld [smem:$0x10];
	[sflag:s4] =	ssyncadd.s32 $0xFFFFFFFF  }
0x96: {  	s17 =	sld [smem:$0x11];
	(tm) =	ssettm $0x1  }
0x97: {  	s18 =	sld [smem:$0x3FFB];
	_ =	sdelay $0x3  }
0x98: {  	_ =	strace s18  }
0x99: {  	s5 =	sld [smem:$0x3FFC];
	_ =	sdelay $0x3  }
0x9a: {  	_ =	strace s5  }
0x9b: {  	s5 =	sld [smem:$0x3FFD];
	_ =	sdelay $0x3  }
0x9c: {  	_ =	strace s5  }
0x9d: {  	_ =	strace $0x8FFFFFFF  }
0x9e: {  	s19 =	sld [smem:$0x3FDB];
	_ =	sdelay $0x1  }
0x9f: {  	s6 =	simm.s32 $_scs_section_size  }
0xa0: {  	s7 =	simm.s32 $_size__tile_overlayer_lowered;
	s8 =	simm.s32 $_tile_overlayer_lowered  }
0xa1: {  	s22 =	simm.s32 $0x1BFF;
	s21 =	sshll.u32 s8, $0x1;
	s5 =	sadd.s32 s6, s19  }
0xa2: {  	s9 =	simm.s32 $0x0;
	s20 =	sshll.u32 s7, $0x1;
	s7 =	sadd.s32 s21, s5  }
0xa3: {  	[timem:s9], [sflag:s22] =	dma.local [hbm:s7], s20  }
0xa4: {  	_ =	swait.ge [sflag:s22], s20  }
0xa5: {  	s6 =	ssub.s32 $0x0, s20;
	[sflag:s22] =	ssyncset.done $0x0  }
0xa6: {  	[sflag:s22] =	ssyncadd.s32 s6;
	_ =	sdelay $0x1  }
0xa7: {  	s23 =	simm.s32 $0x1B8B  }
0xa8: {  	_ =	swait.ge [sflag:s23], $0x1  }
0xa9: {  	[sflag:s23] =	ssyncset.done $0x0  }
0xaa: {  	s25 =	simm.s32 $0x1B8E;
	s24 =	sld [smem:$0x3FFE];
	[sflag:s23] =	ssyncadd.s32 $0xFFFFFFFF  }
0xab: {  	s26 =	simm.s32 $execute0_lowered;
	[smem:$0x3FD2] =	sst s25  }
0xac: {  	s7 =	sshll.u32 s26, $0x1;
	_ =	strace $0x80000046;
	[dreg:$0x1] =	wrdreg $0xFFFFFFFF  }
0xad: {  	s28 =	simm.s32 $_size_execute0_lowered;
	s5 =	sadd.s32 s5, s7;
	[dreg:$0x0] =	wrdreg $0x0  }
0xae: {  	s7 =	sshll.u32 s28, $0x1;
	[dreg:$0x2] =	wrdreg s5  }
0xaf: {  	[dreg:$0x3] =	wrdreg s7  }
0xb0: {  	[dreg:$0x4] =	wrdreg $0xC0  }
0xb1: {  	_ =	task [dreg:s9], $0x5FFFF  }
0xb2: {  	[dreg:$0x1] =	wrdreg $0xFFFFFFFF  }
0xb3: {  	[dreg:$0x0] =	wrdreg $0x60  }
0xb4: {  	[dreg:$0x2] =	wrdreg s15  }
0xb5: {  	[dreg:$0x3] =	wrdreg s24  }
0xb6: {  	[dreg:$0x4] =	wrdreg s17  }
0xb7: {  	[dreg:$0x5] =	wrdreg s16  }
0xb8: {  	[dreg:$0x6] =	wrdreg $0x9  }
0xb9: {  	_ =	task.clear_ibuf [dreg:s9], $0x7FFFF;
	_ =	strace $0x90000046  }
0xba: {  	s29 =	simm.s32 $0x9;
	_ =	strace $0x80000048  }
0xbb: {  	_ =	swait.ge [sflag:s29], $0x1  }
0xbc: {  	[sflag:s29] =	ssyncadd.s32 $0xFFFFFFFF  }
0xbd: {  	_ =	strace $0x90000048  }
0xbe: {  	_ =	sfence  }
0xbf: {  	s30 =	sld [smem:$0x0];
	_ =	sdelay $0x2  }
0xc0: {  	s31 =	sshll.u32 s1, $0xD;
	s1 =	sshrl.u32 s1, $0x2  }
0xc1: {  	s3 =	sand.u32 $0x4000, s31;
	s1 =	sadd.s32 s1, s30  }
0xc2: {  	s0 =	sor.u32 s3, s0;
	s1 =	sshll.u32 s1, $0x11  }
0xc3: {  	s0 =	sor.u32 s1, s0  }
0xc4: {  	s0 =	sadd.s32 $0x8F2B, s0  }
0xc5: {  	[sflag:s0] =	ssyncadd.remote.s32 $0x1  }
0xc6: {  	_ =	sfence.sel $0xFFFF  }
0xc7: {  	[dreg:$0x0] =	wrdreg $0xFFFFFFFF;
	(pc) =	sbr.abs _section_cstart, $3  }
0xc8: {  	[dreg:$0x1] =	wrdreg $0xFFFFFFFF  }
0xc9: {  	_ =	task.clear_ibuf [dreg:s9], $0x2FFFF;
	_ =	strace $0x9FFFFFFF  }
0xca: {  	(tm) =	ssettm $0x7FFFFFFF  }
0xcb: {  	_ =	shalt  }
tec
execute0_lowered:
.L_overlay_start_1:
0x0: {  	(tag) =	ssettag $0x1  }
0x1: {  	s1 =	rddreg [dreg:$0x0]  }
0x2: {  	s17 =	rddreg [dreg:$0x1];
	s2 =	srdreg.scid  }
0x3: {  	s4 =	rddreg [dreg:$0x2];
	s0 =	stileid.u32;
	s16 =	sand.u32 $0x1, s2  }
0x4: {  	s18 =	rddreg [dreg:$0x3];
	s5 =	sshll.u32 s0, $0x9;
	s6 =	sshll.u32 s16, $0x8  }
0x5: {  	s3 =	simm.s32 $0x0;
	s2 =	rddreg [dreg:$0x4];
	s19 =	sor.u32 s6, s5  }
0x6: {  	[smem:$0x7FF] =	sst s3;
	s5 =	sshrl.u32 s19, $0x3  }
0x7: {  	_ =	strace $0x80000047;
	s5 =	sadd.s32 s4, s5;
	s4 =	simm.s32 $0x5  }
0x8: {  	[tilespmem:s3], [sflag:$0x5] =	stream.linear.gather [hbm4b:s5+s3], $0x100, $0x38;
	[tilespmem:$0x10100] =	vst v63  }
0x9: {  	_ =	swait.ge [sflag:s4], $0x100  }
0xa: {  	[sflag:s4] =	ssyncset.done $0x0  }
0xb: {  	s7 =	simm.s32 $0x100;
	s6 =	simm.s32 $0x80;
	[sflag:s4] =	ssyncadd.s32 $0xFFFFFF00  }
0xc: {  	[tilespmem:s7], [sflag:$0x1] =	stream.indirect.gather [hbm4b:s1+s6], $0x80, s3, s6, $0xb8;
	[tilespmem:$0x10100] =	vst v63  }
0xd: {  	s8 =	simm.s32 $0x4100  }
0xe: {  	[tilespmem:s8], [sflag:$0x2] =	stream.indirect.gather [hbm4b:s1+s6], $0x80, s6, s6, $0xb8;
	[tilespmem:$0x10100] =	vst v63  }
0xf: {  	s10 =	simm.s32 $0x8100;
	s9 =	sadd.s32 $0x1600, s17  }
0x10: {  	[tilespmem:s10], [sflag:$0x3] =	stream.indirect.gather [hbm4b:s9+s6], $0x80, s3, s6, $0xb8;
	[tilespmem:$0x10100] =	vst v63  }
0x11: {  	s11 =	simm.s32 $0xC100;
	s12 =	simm.s32 $0x1  }
0x12: {  	[tilespmem:s11], [sflag:$0x4] =	stream.indirect.gather [hbm4b:s9+s6], $0x80, s6, s6, $0xb8;
	[tilespmem:$0x10100] =	vst v63  }
0x13: {  	_ =	swait.ge [sflag:s12], $0x4000  }
0x14: {  	[sflag:s12] =	ssyncset.done $0x0  }
0x15: {  	s13 =	simm.s32 $0x2;
	[sflag:s12] =	ssyncadd.s32 $0xFFFFC000  }
0x16: {  	_ =	swait.ge [sflag:s13], $0x4000  }
0x17: {  	[sflag:s13] =	ssyncset.done $0x0  }
0x18: {  	s14 =	simm.s32 $0x3;
	[sflag:s13] =	ssyncadd.s32 $0xFFFFC000  }
0x19: {  	_ =	swait.ge [sflag:s14], $0x4000  }
0x1a: {  	[sflag:s14] =	ssyncset.done $0x0  }
0x1b: {  	s15 =	simm.s32 $0x4;
	s20 =	ssub.s32 $0x2, s16;
	[sflag:s14] =	ssyncadd.s32 $0xFFFFC000  }
0x1c: {  	s31 =	sshrl.u32 s20, $0x1;
	s19 =	sshll.u32 s19, $0x4;
	_ =	swait.ge [sflag:s15], $0x4000  }
0x1d: {  	s16 =	sadd.s32 s18, s19;
	s18 =	ssub.s32 s20, s31;
	[sflag:s15] =	ssyncset.done $0x0  }
0x1e: {  	s18 =	smax.u32 s18, $0x1;
	[sflag:s15] =	ssyncadd.s32 $0xFFFFC000  }
0x1f: {  	[hbm4b:s16+s3] =	stream.linear.scatter [tilespmem:s7], [sflag:$0x5], $0x8000, $0x38;
	[tilespmem:$0x10100] =	vst v63  }
0x20: {  	p0 =	sne.s32 s18, $0x1;
	_ =	swait.ge [sflag:s4], $0x8000  }
.Ltmp0:
0x21: {  	s17 =	sadd.s32 s19, s17;
	[sflag:s4] =	ssyncset.done $0x0;
	(pc) =	sbr.rel @!p0 .LBB2_2-.Ltmp0, $4  }
0x22: {  	s17 =	sadd.s32 $0x81600, s17;
	[sflag:s4] =	ssyncadd.s32 $0xFFFF8000  }
0x23: {  	[hbm4b:s17+s3] =	stream.linear.scatter [tilespmem:s10], [sflag:$0x5], $0x8000, $0x38;
	[tilespmem:$0x10100] =	vst v63  }
0x24: {  	_ =	swait.ge [sflag:s4], $0x8000  }
0x25: {  	s18 =	sadd.s32 $0xFFFFFFFF, s18;
	[sflag:s4] =	ssyncset.done $0x0  }
.LBB2_1:
0x26: {  	p0 =	sne.s32 s18, $0x1;
	s18 =	sadd.s32 $0xFFFFFFFF, s18;
	[sflag:s4] =	ssyncadd.s32 $0xFFFF8000  }
0x27: {  	[tilespmem:s3], [sflag:$0x5] =	stream.linear.gather [hbm4b:s5+s3], $0x100, $0x38;
	[tilespmem:$0x10100] =	vst v63  }
0x28: {  	_ =	swait.ge [sflag:s4], $0x100  }
0x29: {  	[sflag:s4] =	ssyncset.done $0x0  }
0x2a: {  	[sflag:s4] =	ssyncadd.s32 $0xFFFFFF00  }
0x2b: {  	[tilespmem:s7], [sflag:$0x1] =	stream.indirect.gather [hbm4b:s1+s6], $0x80, s3, s6, $0xb8;
	[tilespmem:$0x10100] =	vst v63  }
0x2c: {  	_ = 	snop  }
0x2d: {  	[tilespmem:s8], [sflag:$0x2] =	stream.indirect.gather [hbm4b:s1+s6], $0x80, s6, s6, $0xb8;
	[tilespmem:$0x10100] =	vst v63  }
0x2e: {  	_ = 	snop  }
0x2f: {  	[tilespmem:s10], [sflag:$0x3] =	stream.indirect.gather [hbm4b:s9+s6], $0x80, s3, s6, $0xb8;
	[tilespmem:$0x10100] =	vst v63  }
0x30: {  	_ = 	snop  }
0x31: {  	[tilespmem:s11], [sflag:$0x4] =	stream.indirect.gather [hbm4b:s9+s6], $0x80, s6, s6, $0xb8;
	[tilespmem:$0x10100] =	vst v63  }
0x32: {  	_ =	swait.ge [sflag:s12], $0x4000  }
0x33: {  	[sflag:s12] =	ssyncset.done $0x0  }
0x34: {  	[sflag:s12] =	ssyncadd.s32 $0xFFFFC000  }
0x35: {  	_ =	swait.ge [sflag:s13], $0x4000  }
0x36: {  	[sflag:s13] =	ssyncset.done $0x0  }
0x37: {  	[sflag:s13] =	ssyncadd.s32 $0xFFFFC000  }
0x38: {  	_ =	swait.ge [sflag:s14], $0x4000  }
0x39: {  	[sflag:s14] =	ssyncset.done $0x0  }
0x3a: {  	[sflag:s14] =	ssyncadd.s32 $0xFFFFC000  }
0x3b: {  	_ =	swait.ge [sflag:s15], $0x4000  }
0x3c: {  	[sflag:s15] =	ssyncset.done $0x0  }
0x3d: {  	[sflag:s15] =	ssyncadd.s32 $0xFFFFC000  }
0x3e: {  	[hbm4b:s16+s3] =	stream.linear.scatter [tilespmem:s7], [sflag:$0x5], $0x8000, $0x38;
	[tilespmem:$0x10100] =	vst v63  }
0x3f: {  	_ =	swait.ge [sflag:s4], $0x8000  }
.Ltmp1:
0x40: {  	[sflag:s4] =	ssyncset.done $0x0;
	(pc) =	sbr.rel @p0 .LBB2_1-.Ltmp1, $4  }
0x41: {  	[sflag:s4] =	ssyncadd.s32 $0xFFFF8000  }
0x42: {  	[hbm4b:s17+s3] =	stream.linear.scatter [tilespmem:s10], [sflag:$0x5], $0x8000, $0x38;
	[tilespmem:$0x10100] =	vst v63  }
0x43: {  	_ =	swait.ge [sflag:s4], $0x8000  }
0x44: {  	[sflag:s4] =	ssyncset.done $0x0  }
.LBB2_2:
0x45: {  	[sflag:s4] =	ssyncadd.s32 $0xFFFF8000  }
0x46: {  	_ =	sfence.sel $0x180000  }
0x47: {  	[bflag:$0x0] =	sbarrier.arrive $0xFFFF  }
0x48: {  	p0 =	sne.s32 s0, $0x0;
	_ =	strace $0x90000047  }
0x49: {  	s0 =	sadd.s32 @!p0 $0x100000, s2;
	[bflag:$0x2] =	sbarrier.arrive $0xFFFF  }
0x4a: {  	[sflag:s0] =	ssyncadd.tile.s32 @!p0 $0x1;
	_ =	shalt  }
.Lfunc_end2:
_tile_overlayer_lowered:
.L_overlay_start_2:
0x4b: {  	(tag) =	ssettag $0x2  }
0x4c: {  	s0 =	rddreg [dreg:$0x0];
	s2 =	stileid.u32  }
0x4d: {  	s1 =	rddreg [dreg:$0x1];
	p0 =	sne.s32 s2, $0x0  }
0x4e: {  	s3 =	rddreg [dreg:$0x2];
	[bflag:$0x3] =	sbarrier.arrive $0xFFFF;
	s2 =	simm.s32 @!p0 $0x1C05  }
0x4f: {  	[timem:s3], [sflag:s2] =	dma.local @!p0 [hbm:s0], s1  }
0x50: {  	s0 =	simm.s32 @!p0 $0x5  }
0x51: {  	_ =	swait.ge @!p0 [sflag:s0], s1  }
0x52: {  	s1 =	ssub.s32 @!p0 $0x0, s1;
	[sflag:s0] =	ssyncset.done @!p0 $0x0  }
0x53: {  	[sflag:s0] =	ssyncadd.s32 @!p0 s1  }
0x54: {  	[bflag:$0x3] =	sbarrier.arrive $0xFFFF  }
0x55: {  	_ =	shalt  }

// kernel: kernel.13.cloned.1.call-start
scs
__scs_entry_jumppad:
0x0: {  	(pc) =	sbr.rel $0x88, $3  }
0x1: {  	(tag) =	ssettag $0x0;
	lr =	simm.s32 $0x1  }
0x2: {  	[smem:$0x3F97] =	sst lr;
	_ =	strace $0xD0000000  }
0x3: {  	_ = 	snop  }
0x4: {  	_ = 	snop  }
0x5: {  	_ = 	snop  }
0x6: {  	_ = 	snop  }
0x7: {  	_ = 	snop  }
__scs_overlays_trampoline_lowered:
0x8: {  	[smem:$0x3FA6] =	sst s0  }
0x9: {  	[smem:$0x3FA7] =	sst s1  }
0xa: {  	[smem:$0x3FA8] =	sst s2  }
0xb: {  	[smem:$0x3FA9] =	sst s3  }
0xc: {  	[smem:$0x3FAA] =	sst s4  }
0xd: {  	[smem:$0x3FAB] =	sst s5  }
0xe: {  	[smem:$0x3FAC] =	sst s6  }
0xf: {  	[smem:$0x3FAD] =	sst s7  }
0x10: {  	[smem:$0x3FAE] =	sst s8  }
0x11: {  	[smem:$0x3FAF] =	sst s9;
	s0 =	simm.s32 @!p0 $0x0  }
0x12: {  	s1 =	sld [smem:$0x3F95];
	s0 =	simm.s32 @p0 $0x1  }
0x13: {  	[smem:$0x3FB0] =	sst s0;
	s0 =	simm.s32 @!p1 $0x0  }
0x14: {  	s2 =	sld [smem:$0x3F94];
	s0 =	simm.s32 @p1 $0x1  }
0x15: {  	[smem:$0x3FB1] =	sst s0;
	s0 =	simm.s32 @!p2 $0x0  }
0x16: {  	s3 =	sld [smem:$0x3FDB];
	s0 =	simm.s32 @p2 $0x1  }
0x17: {  	s4 =	simm.s32 $0x1BF5;
	[smem:$0x3FB3] =	sst s0  }
0x18: {  	s0 =	sld [smem:$0x3F96];
	_ =	swait.ge [sflag:s4], $0x0  }
0x19: {  	s7 =	sld [smem:$0x3F97]  }
0x1a: {  	s8 =	sadd.s32 $0xFFFFE003, lr  }
0x1b: {  	s9 =	sadd.s32 $0xFFFFFEF7, lr;
	s5 =	simm.s32 $0xFFFFFFFF;
	p2 =	slt.u32 s8, $0xFFFFF086  }
0x1c: {  	p1 =	slt.u32 s9, $0xF7A;
	s5 =	simm.s32 @!p2 $0x0  }
0x1d: {  	s5 =	simm.s32 @p1 $0x1;
	p0 =	seq.s32 s7, s2  }
0x1e: {  	s7 =	smul.u32 @!p0 $0xF7A, s2;
	p2 =	seq.s32 @!p0 s5, $0x0  }
0x1f: {  	s9 =	smul.u32 $0xF7A, s1;
	s8 =	simm.s32 @!p0 $0x1BF5;
	p2 =	por !p2, p0  }
0x20: {  	[sflag:s8] =	ssyncset.s32 @!p0 $0xFFFFF086;
	s6 =	sadd.s32 @!p0 s3, s7;
	s7 =	simm.s32 @!p0 $0x108  }
0x21: {  	s3 =	sadd.s32 s3, s9;
	s6 =	sadd.s32 @!p0 $0x88, s6;
	s7 =	simm.s32 @p2 $0x1082  }
0x22: {  	[simem:s7], [sflag:s8] =	dma.local @!p0 [hbm:s6], $0xF7A  }
0x23: {  	s9 =	sor.u32 $0xD0000000, s2;
	s6 =	simm.s32 $0x108;
	_ =	swait.ge @!p0 [sflag:s8], $0x0  }
0x24: {  	s3 =	sadd.s32 $0x88, s3;
	s6 =	simm.s32 @!p1 $0x1082;
	[sflag:s4] =	ssyncset.s32 $0xFFFFF086  }
0x25: {  	[simem:s6], [sflag:s4] =	dma.local [hbm:s3], $0xF7A  }
0x26: {  	[smem:$0x3F97] =	sst s1;
	(tag) =	ssettag s2;
	_ =	strace s9  }
0x27: {  	s1 =	sld [smem:$0x3FA7]  }
0x28: {  	s2 =	sld [smem:$0x3FA8]  }
0x29: {  	s4 =	sld [smem:$0x3FAA]  }
0x2a: {  	p0 =	seq.s32 s5, $0x0;
	s5 =	sld [smem:$0x3FAB]  }
0x2b: {  	s6 =	sld [smem:$0x3FAC]  }
0x2c: {  	s7 =	sld [smem:$0x3FAD]  }
0x2d: {  	s3 =	simm.s32 $0x108;
	s8 =	sld [smem:$0x3FAE]  }
0x2e: {  	s3 =	simm.s32 @!p0 $0x1082;
	s9 =	sld [smem:$0x3FAF]  }
0x2f: {  	lr =	sadd.s32 s0, s3;
	s0 =	sld [smem:$0x3FA6]  }
0x30: {  	s3 =	sld [smem:$0x3FA9]  }
0x31: {  	[smem:$0x3FB2] =	sst s10  }
0x32: {  	s10 =	sld [smem:$0x3FB0];
	_ =	sdelay $0x3  }
0x33: {  	p0 =	seq.s32 s10, $0x1;
	s10 =	sld [smem:$0x3FB2];
	_ =	sdelay $0x3  }
0x34: {  	[smem:$0x3FB2] =	sst s10  }
0x35: {  	s10 =	sld [smem:$0x3FB1];
	_ =	sdelay $0x3  }
0x36: {  	p1 =	seq.s32 s10, $0x1;
	s10 =	sld [smem:$0x3FB2];
	_ =	sdelay $0x3  }
0x37: {  	[smem:$0x3FB2] =	sst s10  }
0x38: {  	s10 =	sld [smem:$0x3FB3]  }
0x39: {  	_ = 	snop;
	(pc) =	sbr.ind lr, $3  }
0x3a: {  	_ = 	snop  }
0x3b: {  	_ = 	snop  }
0x3c: {  	p2 =	seq.s32 s10, $0x1;
	s10 =	sld [smem:$0x3FB2]  }
0x3d: {  	_ =	shalt  }
0x3e: {  	_ =	shalt  }
0x3f: {  	_ =	shalt  }
0x40: {  	_ =	shalt  }
0x41: {  	_ =	shalt  }
0x42: {  	_ =	shalt  }
0x43: {  	_ =	shalt  }
0x44: {  	_ =	shalt  }
0x45: {  	_ =	shalt  }
0x46: {  	_ =	shalt  }
0x47: {  	_ =	shalt  }
0x48: {  	_ =	shalt  }
0x49: {  	_ =	shalt  }
0x4a: {  	_ =	shalt  }
0x4b: {  	_ =	shalt  }
0x4c: {  	_ =	shalt  }
0x4d: {  	_ =	shalt  }
0x4e: {  	_ =	shalt  }
0x4f: {  	_ =	shalt  }
0x50: {  	_ =	shalt  }
0x51: {  	_ =	shalt  }
0x52: {  	_ =	shalt  }
0x53: {  	_ =	shalt  }
0x54: {  	_ =	shalt  }
0x55: {  	_ =	shalt  }
0x56: {  	_ =	shalt  }
0x57: {  	_ =	shalt  }
0x58: {  	_ =	shalt  }
0x59: {  	_ =	shalt  }
0x5a: {  	_ =	shalt  }
0x5b: {  	_ =	shalt  }
0x5c: {  	_ =	shalt  }
0x5d: {  	_ =	shalt  }
0x5e: {  	_ =	shalt  }
0x5f: {  	_ =	shalt  }
0x60: {  	_ =	shalt  }
0x61: {  	_ =	shalt  }
0x62: {  	_ =	shalt  }
0x63: {  	_ =	shalt  }
0x64: {  	_ =	shalt  }
0x65: {  	_ =	shalt  }
0x66: {  	_ =	shalt  }
0x67: {  	_ =	shalt  }
0x68: {  	_ =	shalt  }
0x69: {  	_ =	shalt  }
0x6a: {  	_ =	shalt  }
0x6b: {  	_ =	shalt  }
0x6c: {  	_ =	shalt  }
0x6d: {  	_ =	shalt  }
0x6e: {  	_ =	shalt  }
0x6f: {  	_ =	shalt  }
0x70: {  	_ =	shalt  }
0x71: {  	_ =	shalt  }
0x72: {  	_ =	shalt  }
0x73: {  	_ =	shalt  }
0x74: {  	_ =	shalt  }
0x75: {  	_ =	shalt  }
0x76: {  	_ =	shalt  }
0x77: {  	_ =	shalt  }
0x78: {  	_ =	shalt  }
0x79: {  	_ =	shalt  }
0x7a: {  	_ =	shalt  }
0x7b: {  	_ =	shalt  }
0x7c: {  	_ =	shalt  }
0x7d: {  	_ =	shalt  }
0x7e: {  	_ =	shalt  }
0x7f: {  	_ =	shalt  }
0x80: {  	_ =	shalt  }
0x81: {  	_ =	shalt  }
0x82: {  	_ =	shalt  }
0x83: {  	_ =	shalt  }
0x84: {  	_ =	shalt  }
0x85: {  	_ =	shalt  }
0x86: {  	_ =	shalt  }
0x87: {  	_ =	shalt  }
.Lfunc_end0:
.L_simem_size_0:
called_computation.1_lowered:
.L_overlay_start_0:
0x88: {  	s2 =	sld [smem:$0x3FD9]  }
0x89: {  	s3 =	sld [smem:$0x3FFE];
	_ =	sdelay $0x1  }
0x8a: {  	s1 =	srdreg.scid  }
0x8b: {  	s0 =	sand.u32 $0x1, s1  }
0x8c: {  	s16 =	sshll.u32 s0, $0xA;
	s2 =	sadd.s32 s3, s2  }
0x8d: {  	s2 =	sadd.s32 s2, s16  }
0x8e: {  	[smem:$0x3FBE] =	sst s2  }
0x8f: {  	_ = 	snop  }
0x90: {  	(tm) =	ssettm $0x1  }
0x91: {  	s17 =	sld [smem:$0x3FFB];
	_ =	sdelay $0x3  }
0x92: {  	_ =	strace s17  }
0x93: {  	s2 =	sld [smem:$0x3FFC];
	_ =	sdelay $0x3  }
0x94: {  	_ =	strace s2  }
0x95: {  	s2 =	sld [smem:$0x3FFD];
	_ =	sdelay $0x3  }
0x96: {  	_ =	strace s2  }
0x97: {  	_ =	strace $0x8FFFFFFF  }
0x98: {  	s18 =	sld [smem:$0x3FDB];
	_ =	sdelay $0x1  }
0x99: {  	s19 =	simm.s32 $_scs_section_size  }
0x9a: {  	s4 =	simm.s32 $_size__tile_overlayer_lowered;
	s5 =	simm.s32 $_tile_overlayer_lowered  }
0x9b: {  	s22 =	simm.s32 $0x1BFF;
	s21 =	sshll.u32 s5, $0x1;
	s2 =	sadd.s32 s19, s18  }
0x9c: {  	s6 =	simm.s32 $0x0;
	s20 =	sshll.u32 s4, $0x1;
	s4 =	sadd.s32 s21, s2  }
0x9d: {  	[timem:s6], [sflag:s22] =	dma.local [hbm:s4], s20  }
0x9e: {  	_ =	swait.ge [sflag:s22], s20  }
0x9f: {  	s3 =	ssub.s32 $0x0, s20;
	[sflag:s22] =	ssyncset.done $0x0  }
0xa0: {  	[sflag:s22] =	ssyncadd.s32 s3;
	_ =	sdelay $0x1  }
0xa1: {  	s23 =	simm.s32 $0x1B8B  }
0xa2: {  	_ =	swait.ge [sflag:s23], $0x1  }
0xa3: {  	[sflag:s23] =	ssyncset.done $0x0  }
0xa4: {  	s25 =	simm.s32 $0x1B8E;
	s24 =	sld [smem:$0x3FFE];
	[sflag:s23] =	ssyncadd.s32 $0xFFFFFFFF  }
0xa5: {  	s26 =	simm.s32 $execute0_lowered;
	[smem:$0x3FD2] =	sst s25  }
0xa6: {  	s4 =	sshll.u32 s26, $0x1;
	_ =	strace $0x80000049;
	[dreg:$0x1] =	wrdreg $0xFFFFFFFF  }
0xa7: {  	s28 =	simm.s32 $_size_execute0_lowered;
	s2 =	sadd.s32 s2, s4;
	[dreg:$0x0] =	wrdreg $0x0  }
0xa8: {  	s4 =	sshll.u32 s28, $0x1;
	[dreg:$0x2] =	wrdreg s2  }
0xa9: {  	[dreg:$0x3] =	wrdreg s4  }
0xaa: {  	[dreg:$0x4] =	wrdreg $0xC0  }
0xab: {  	_ =	task [dreg:s6], $0x5FFFF  }
0xac: {  	[dreg:$0x1] =	wrdreg $0xFFFFFFFF  }
0xad: {  	[dreg:$0x0] =	wrdreg $0x60  }
0xae: {  	[dreg:$0x2] =	wrdreg s24  }
0xaf: {  	[dreg:$0x3] =	wrdreg $0x9  }
0xb0: {  	_ =	task.clear_ibuf [dreg:s6], $0x4FFFF;
	_ =	strace $0x90000049  }
0xb1: {  	s29 =	simm.s32 $0x9;
	_ =	strace $0x8000004B  }
0xb2: {  	_ =	swait.ge [sflag:s29], $0x1  }
0xb3: {  	[sflag:s29] =	ssyncadd.s32 $0xFFFFFFFF  }
0xb4: {  	_ =	strace $0x9000004B  }
0xb5: {  	_ =	sfence  }
0xb6: {  	s30 =	sld [smem:$0x0];
	_ =	sdelay $0x2  }
0xb7: {  	s31 =	sshll.u32 s1, $0xD;
	s1 =	sshrl.u32 s1, $0x2  }
0xb8: {  	s3 =	sand.u32 $0x4000, s31;
	s1 =	sadd.s32 s1, s30  }
0xb9: {  	s0 =	sor.u32 s3, s0;
	s1 =	sshll.u32 s1, $0x11  }
0xba: {  	s0 =	sor.u32 s1, s0  }
0xbb: {  	s0 =	sadd.s32 $0x8F2B, s0  }
0xbc: {  	[sflag:s0] =	ssyncadd.remote.s32 $0x1  }
0xbd: {  	_ =	sfence.sel $0xFFFF  }
0xbe: {  	[dreg:$0x0] =	wrdreg $0xFFFFFFFF;
	(pc) =	sbr.abs _section_cstart, $3  }
0xbf: {  	[dreg:$0x1] =	wrdreg $0xFFFFFFFF  }
0xc0: {  	_ =	task.clear_ibuf [dreg:s6], $0x2FFFF;
	_ =	strace $0x9FFFFFFF  }
0xc1: {  	(tm) =	ssettm $0x7FFFFFFF  }
tec
execute0_lowered:
.L_overlay_start_1:
0x0: {  	(tag) =	ssettag $0x1  }
0x1: {  	s4 =	rddreg [dreg:$0x0]  }
0x2: {  	s0 =	rddreg [dreg:$0x1];
	s3 =	srdreg.scid  }
0x3: {  	s2 =	simm.s32 $0x0;
	s1 =	stileid.u32;
	s10 =	simm.s32 $0x6000  }
0x4: {  	s11 =	simm.s32 $0x1;
	s12 =	simm.s32 $0x2;
	s13 =	simm.s32 $0x3  }
0x5: {  	s14 =	simm.s32 $0x4;
	s15 =	simm.s32 $0x0;
	s5 =	sand.u32 $0x1, s3  }
0x6: {  	[smem:$0x7FF] =	sst s2;
	s6 =	sshll.u32 s1, $0xE;
	s3 =	sadd.s32 $0xA3600, s4  }
0x7: {  	s30 =	sshll.u32 s1, $0x12;
	s7 =	sshll.u32 s5, $0xD;
	_ =	strace $0x8000004A  }
0x8: {  	s8 =	ssub.s32 $0x2, s5;
	s5 =	sshll.u32 s5, $0x11;
	s6 =	sor.u32 s7, s6  }
0x9: {  	s7 =	sadd.s32 s30, s4;
	s9 =	sshrl.u32 s8, $0x1;
	s6 =	sshrl.u32 s6, $0x3  }
0xa: {  	s31 =	ssub.s32 s8, s9;
	s7 =	sadd.s32 s5, s7;
	s8 =	simm.s32 $0x80  }
0xb: {  	s9 =	simm.s32 $0x2000;
	s4 =	sadd.s32 s6, s4;
	s5 =	smax.u32 s31, $0x1  }
0xc: {  	s6 =	sadd.s32 $0x123600, s7;
	s7 =	simm.s32 $0x5;
	s4 =	sadd.s32 $0x1600, s4  }
.LBB2_1:
0xd: {  	[tilespmem:s2], [sflag:$0x5] =	stream.linear.gather [hbm4b:s4+s2], $0x2000, $0x38;
	[tilespmem:$0xA000] =	vst v63  }
0xe: {  	_ =	swait.ge [sflag:s7], $0x2000  }
0xf: {  	[sflag:s7] =	ssyncset.done $0x0  }
0x10: {  	s16 =	simm.s32 $0x0;
	[sflag:s7] =	ssyncadd.s32 $0xFFFFE000  }
0x11: {  	[tilespmem:s9], [sflag:$0x1] =	stream.indirect.gather [hbm4b:s3+s8], $0x80, s16, s8, $0xb8;
	[tilespmem:$0xA000] =	vst v63  }
0x12: {  	s30 =	simm.s32 $0x80  }
0x13: {  	[tilespmem:s10], [sflag:$0x2] =	stream.indirect.gather [hbm4b:s3+s8], $0x80, s30, s8, $0xb8;
	[tilespmem:$0xA000] =	vst v63  }
0x14: {  	_ =	swait.ge [sflag:s11], $0x4000  }
0x15: {  	[sflag:s11] =	ssyncset.done $0x0  }
0x16: {  	[sflag:s11] =	ssyncadd.s32 $0xFFFFC000  }
0x17: {  	[hbm4b:s6+s2] =	stream.linear.scatter [tilespmem:s9], [sflag:$0x3], $0x4000, $0x38;
	[tilespmem:$0xA000] =	vst v63  }
0x18: {  	_ =	swait.ge [sflag:s12], $0x4000  }
0x19: {  	[sflag:s12] =	ssyncset.done $0x0  }
0x1a: {  	s31 =	sadd.s32 $0x800, s6;
	[sflag:s12] =	ssyncadd.s32 $0xFFFFC000  }
0x1b: {  	[hbm4b:s31+s2] =	stream.linear.scatter [tilespmem:s10], [sflag:$0x4], $0x4000, $0x38;
	[tilespmem:$0xA000] =	vst v63  }
0x1c: {  	_ =	swait.ge [sflag:s13], $0x4000  }
0x1d: {  	[sflag:s13] =	ssyncset.done $0x0  }
0x1e: {  	[sflag:s13] =	ssyncadd.s32 $0xFFFFC000  }
0x1f: {  	s17 =	simm.s32 $0x400;
	_ =	swait.ge [sflag:s14], $0x4000  }
0x20: {  	s18 =	simm.s32 $0x800;
	s16 =	sadd.s32 $0x1000, s6;
	[sflag:s14] =	ssyncset.done $0x0  }
.LBB2_2:
0x21: {  	s19 =	sshra.s32 s17, $0x2  }
0x22: {  	[sflag:s14] =	ssyncadd.s32 $0xFFFFC000;
	s17 =	smov.u32 s18;
	s20 =	sadd.s32 $0x400, s18  }
0x23: {  	[tilespmem:s9], [sflag:$0x1] =	stream.indirect.gather [hbm4b:s3+s8], $0x80, s19, s8, $0xb8;
	[tilespmem:$0xA000] =	vst v63  }
0x24: {  	p0 =	sne.s32 s18, $0x7C00;
	s18 =	sadd.s32 $0x80, s19  }
0x25: {  	[tilespmem:s10], [sflag:$0x2] =	stream.indirect.gather [hbm4b:s3+s8], $0x80, s18, s8, $0xb8;
	[tilespmem:$0xA000] =	vst v63  }
0x26: {  	_ =	swait.ge [sflag:s11], $0x4000  }
0x27: {  	[sflag:s11] =	ssyncset.done $0x0  }
0x28: {  	[sflag:s11] =	ssyncadd.s32 $0xFFFFC000  }
0x29: {  	[hbm4b:s16+s2] =	stream.linear.scatter [tilespmem:s9], [sflag:$0x3], $0x4000, $0x38;
	[tilespmem:$0xA000] =	vst v63  }
0x2a: {  	_ =	swait.ge [sflag:s12], $0x4000  }
0x2b: {  	[sflag:s12] =	ssyncset.done $0x0  }
0x2c: {  	s18 =	sadd.s32 $0x800, s16;
	[sflag:s12] =	ssyncadd.s32 $0xFFFFC000  }
0x2d: {  	[hbm4b:s18+s2] =	stream.linear.scatter [tilespmem:s10], [sflag:$0x4], $0x4000, $0x38;
	[tilespmem:$0xA000] =	vst v63  }
.Ltmp0:
0x2e: {  	_ =	swait.ge [sflag:s13], $0x4000;
	(pc) =	sbr.rel @p0 .LBB2_2-.Ltmp0, $4  }
0x2f: {  	[sflag:s13] =	ssyncset.done $0x0  }
0x30: {  	[sflag:s13] =	ssyncadd.s32 $0xFFFFC000  }
0x31: {  	_ =	swait.ge [sflag:s14], $0x4000  }
0x32: {  	s16 =	sadd.s32 $0x1000, s16;
	s18 =	smov.u32 s20;
	[sflag:s14] =	ssyncset.done $0x0  }
0x33: {  	s17 =	sshra.s32 s17, $0x2;
	[sflag:s14] =	ssyncadd.s32 $0xFFFFC000  }
0x34: {  	[tilespmem:s9], [sflag:$0x1] =	stream.indirect.gather [hbm4b:s3+s8], $0x80, s17, s8, $0xb8;
	[tilespmem:$0xA000] =	vst v63  }
0x35: {  	s17 =	sadd.s32 $0x80, s17  }
0x36: {  	[tilespmem:s10], [sflag:$0x2] =	stream.indirect.gather [hbm4b:s3+s8], $0x80, s17, s8, $0xb8;
	[tilespmem:$0xA000] =	vst v63  }
0x37: {  	_ =	swait.ge [sflag:s11], $0x4000  }
0x38: {  	[sflag:s11] =	ssyncset.done $0x0  }
0x39: {  	[sflag:s11] =	ssyncadd.s32 $0xFFFFC000  }
0x3a: {  	[hbm4b:s16+s2] =	stream.linear.scatter [tilespmem:s9], [sflag:$0x3], $0x4000, $0x38;
	[tilespmem:$0xA000] =	vst v63  }
0x3b: {  	_ =	swait.ge [sflag:s12], $0x4000  }
0x3c: {  	[sflag:s12] =	ssyncset.done $0x0  }
0x3d: {  	s31 =	sadd.s32 $0x800, s16;
	s15 =	sadd.s32 $0x1, s15;
	[sflag:s12] =	ssyncadd.s32 $0xFFFFC000  }
0x3e: {  	[hbm4b:s31+s2] =	stream.linear.scatter [tilespmem:s10], [sflag:$0x4], $0x4000, $0x38;
	[tilespmem:$0xA000] =	vst v63  }
0x3f: {  	p0 =	sne.s32 s15, s5;
	_ =	swait.ge [sflag:s13], $0x4000  }
.Ltmp1:
0x40: {  	[sflag:s13] =	ssyncset.done $0x0;
	(pc) =	sbr.rel @p0 .LBB2_1-.Ltmp1, $4  }
0x41: {  	[sflag:s13] =	ssyncadd.s32 $0xFFFFC000  }
0x42: {  	_ =	swait.ge [sflag:s14], $0x4000  }
0x43: {  	[sflag:s14] =	ssyncset.done $0x0  }
0x44: {  	[sflag:s14] =	ssyncadd.s32 $0xFFFFC000  }
0x45: {  	_ =	sfence.sel $0x180000  }
0x46: {  	[bflag:$0x0] =	sbarrier.arrive $0xFFFF  }
0x47: {  	p0 =	sne.s32 s1, $0x0;
	_ =	strace $0x9000004A  }
0x48: {  	s0 =	sadd.s32 @!p0 $0x100000, s0;
	[bflag:$0x2] =	sbarrier.arrive $0xFFFF  }
0x49: {  	[sflag:s0] =	ssyncadd.tile.s32 @!p0 $0x1;
	_ =	shalt  }
.Lfunc_end2:
_tile_overlayer_lowered:
.L_overlay_start_2:
0x4a: {  	(tag) =	ssettag $0x2  }
0x4b: {  	s0 =	rddreg [dreg:$0x0];
	s2 =	stileid.u32  }
0x4c: {  	s1 =	rddreg [dreg:$0x1];
	p0 =	sne.s32 s2, $0x0  }
0x4d: {  	s3 =	rddreg [dreg:$0x2];
	[bflag:$0x3] =	sbarrier.arrive $0xFFFF;
	s2 =	simm.s32 @!p0 $0x1C05  }
0x4e: {  	[timem:s3], [sflag:s2] =	dma.local @!p0 [hbm:s0], s1  }
0x4f: {  	s0 =	simm.s32 @!p0 $0x5  }
0x50: {  	_ =	swait.ge @!p0 [sflag:s0], s1  }
0x51: {  	s1 =	ssub.s32 @!p0 $0x0, s1;
	[sflag:s0] =	ssyncset.done @!p0 $0x0  }
0x52: {  	[sflag:s0] =	ssyncadd.s32 @!p0 s1  }
0x53: {  	[bflag:$0x3] =	sbarrier.arrive $0xFFFF  }
0x54: {  	_ =	shalt  }

</sc_bundles>
